<compile_context>
chip_gen: v7x
topology: tpu7x:2x2x1
jax: 0.10.2.dev20260603
libtpu: 0.0.44.dev20260713+nightly
codegen_flags: <defaults>
</compile_context>

<pallas_src>
import functools

import jax
import jax.numpy as jnp
from jax import lax
from jax.experimental import pallas as pl
from jax.experimental.pallas import tpu as pltpu
from jax.experimental.pallas import tpu_sc as plsc

_N = 10000
_E = 320000
_F_IN = 128
_H1 = 64
_H2 = 4
_G = 64

_NC = 2
_NS = 16
_NW = _NC * _NS
_C = 128
_ITERS = 79
_EP = _NW * _ITERS * _C
_NROWS = 10240




def _make_edge_agg(d, gather):
    mesh = plsc.VectorSubcoreMesh(core_axis_name="c", subcore_axis_name="s")
    rps = _NROWS // _NS

    scratch = [
        pltpu.VMEM((_ITERS, _C), jnp.int32),
        pltpu.VMEM((_ITERS, _C), jnp.int32),
        pltpu.VMEM_SHARED((_NROWS, d), jnp.float32),
        pltpu.VMEM((_C, d), jnp.float32),
        pltpu.SemaphoreType.DMA,
    ]

    @functools.partial(
        pl.kernel,
        mesh=mesh,
        out_type=jax.ShapeDtypeStruct((_NC, _NROWS, d), jnp.float32),
        scratch_types=scratch,
        compiler_params=pltpu.CompilerParams(use_tc_tiling_on_sc=False),
    )
    def agg(src_hbm, dst_hbm, table_hbm, zeros_hbm, out_hbm,
            src_v, dst_v, acc_sh, rows_v, gsem):
        c = lax.axis_index("c")
        s = lax.axis_index("s")
        wid = c * _NS + s
        pltpu.sync_copy(zeros_hbm.at[pl.ds(s * rps, rps)],
                        acc_sh.at[pl.ds(s * rps, rps)])
        pltpu.sync_copy(src_hbm.at[wid], src_v)
        pltpu.sync_copy(dst_hbm.at[wid], dst_v)
        if not gather:
            pltpu.sync_copy(table_hbm, rows_v)
        plsc.subcore_barrier()

        def body(t, carry):
            if gather:
                pltpu.async_copy(table_hbm.at[src_v.at[t]], rows_v,
                                 gsem).wait()
            pltpu.sync_copy(rows_v, acc_sh.at[dst_v.at[t]], add=True)
            return carry

        lax.fori_loop(0, _ITERS, body, 0)
        plsc.subcore_barrier()
        pltpu.sync_copy(acc_sh.at[pl.ds(s * rps, rps)],
                        out_hbm.at[c, pl.ds(s * rps, rps)])

    return agg



def _elu(x):
    return jnp.where(x > 0, x, jnp.exp(x) - 1.0)


def _mm1(x, W1):
    def body(x_ref, w_ref, o_ref):
        o_ref[...] = jnp.dot(x_ref[...], w_ref[...],
                             preferred_element_type=jnp.float32)

    return pl.pallas_call(
        body,
        grid=(10,),
        in_specs=[pl.BlockSpec((1000, _F_IN), lambda i: (i, 0)),
                  pl.BlockSpec((_F_IN, _H1), lambda i: (0, 0))],
        out_specs=pl.BlockSpec((1000, _H1), lambda i: (i, 0)),
        out_shape=jax.ShapeDtypeStruct((_N, _H1), jnp.float32),
    )(x, W1)


def _prep(deg0, deg1, xw1):
    def body(d0, d1, xw, dinv_ref, t2_ref):
        deg = d0[...] + d1[...] + 1.0
        dinv = lax.rsqrt(deg)
        dinv_ref[...] = dinv
        t2_ref[...] = xw[...] * dinv

    return pl.pallas_call(
        body,
        grid=(10,),
        in_specs=[pl.BlockSpec((1000, 1), lambda i: (i, 0)),
                  pl.BlockSpec((1000, 1), lambda i: (i, 0)),
                  pl.BlockSpec((1000, _H1), lambda i: (i, 0))],
        out_specs=[pl.BlockSpec((1000, 1), lambda i: (i, 0)),
                   pl.BlockSpec((1000, _H1), lambda i: (i, 0))],
        out_shape=[jax.ShapeDtypeStruct((_N, 1), jnp.float32),
                   jax.ShapeDtypeStruct((_N, _H1), jnp.float32)],
    )(deg0, deg1, xw1)


def _post1(a0, a1, t2, dinv, b1, W2):
    def body(a0_ref, a1_ref, t2_ref, dinv_ref, b1_ref, w2_ref, t3_ref):
        h = dinv_ref[...] * (a0_ref[...] + a1_ref[...] + t2_ref[...]) + b1_ref[...]
        h = _elu(h)
        xw2 = jnp.dot(h, w2_ref[...], preferred_element_type=jnp.float32)
        t3_ref[...] = dinv_ref[...] * xw2

    return pl.pallas_call(
        body,
        grid=(10,),
        in_specs=[pl.BlockSpec((1000, _H1), lambda i: (i, 0)),
                  pl.BlockSpec((1000, _H1), lambda i: (i, 0)),
                  pl.BlockSpec((1000, _H1), lambda i: (i, 0)),
                  pl.BlockSpec((1000, 1), lambda i: (i, 0)),
                  pl.BlockSpec((1, _H1), lambda i: (0, 0)),
                  pl.BlockSpec((_H1, _H2), lambda i: (0, 0))],
        out_specs=pl.BlockSpec((1000, _H2), lambda i: (i, 0)),
        out_shape=jax.ShapeDtypeStruct((_N, _H2), jnp.float32),
    )(a0, a1, t2, dinv, b1, W2)


def _post2(a0, a1, t3, dinv, b2, batch2, W3, b3):
    def body(a0_ref, a1_ref, t3_ref, dinv_ref, b2_ref, batch_ref, w3_ref,
             b3_ref, o_ref):
        h = dinv_ref[...] * (a0_ref[...] + a1_ref[...] + t3_ref[...]) + b2_ref[...]
        h = _elu(h)
        gids = lax.broadcasted_iota(jnp.int32, (_N, _G), 1)
        oh = (batch_ref[...] == gids).astype(jnp.float32)
        haug = jnp.concatenate([h, jnp.ones((_N, 1), jnp.float32)], axis=1)
        sums = lax.dot_general(oh, haug, (((0,), (0,)), ((), ())),
                               preferred_element_type=jnp.float32)
        mean = sums[:, :_H2] / jnp.maximum(sums[:, _H2:], 1.0)
        o_ref[...] = jnp.dot(mean, w3_ref[...],
                             preferred_element_type=jnp.float32) + b3_ref[...]

    return pl.pallas_call(
        body,
        in_specs=[pl.BlockSpec((_N, _H2), lambda: (0, 0)),
                  pl.BlockSpec((_N, _H2), lambda: (0, 0)),
                  pl.BlockSpec((_N, _H2), lambda: (0, 0)),
                  pl.BlockSpec((_N, 1), lambda: (0, 0)),
                  pl.BlockSpec((1, _H2), lambda: (0, 0)),
                  pl.BlockSpec((_N, 1), lambda: (0, 0)),
                  pl.BlockSpec((_H2, 1), lambda: (0, 0)),
                  pl.BlockSpec((1, 1), lambda: (0, 0))],
        out_specs=pl.BlockSpec((_G, 1), lambda: (0, 0)),
        out_shape=jax.ShapeDtypeStruct((_G, 1), jnp.float32),
    )(a0, a1, t3, dinv, b2, batch2, W3, b3)



def kernel(x, edge_index, batch, W1, b1, W2, b2, W3, b3):
    src = edge_index[0]
    dst = edge_index[1]
    pad = _EP - _E
    padk = jnp.arange(pad, dtype=jnp.int32)
    srcp = jnp.concatenate([src, padk % _N]).reshape(_NW, _ITERS, _C)
    dstp = jnp.concatenate([dst, _N + padk % (_NROWS - _N)]).reshape(
        _NW, _ITERS, _C)

    z1 = jnp.zeros((_NROWS, 1), jnp.float32)
    z64 = jnp.zeros((_NROWS, _H1), jnp.float32)
    z4 = jnp.zeros((_NROWS, _H2), jnp.float32)
    ones_c = jnp.ones((_C, 1), jnp.float32)

    degp = _make_edge_agg(1, gather=False)(srcp, dstp, ones_c, z1)
    xw1 = _mm1(x, W1)
    dinv, t2 = _prep(degp[0, :_N], degp[1, :_N], xw1)
    agg1 = _make_edge_agg(_H1, gather=True)(srcp, dstp, t2, z64)
    t3 = _post1(agg1[0, :_N], agg1[1, :_N], t2, dinv,
                b1.reshape(1, _H1), W2)
    agg2 = _make_edge_agg(_H2, gather=True)(srcp, dstp, t3, z4)
    out = _post2(agg2[0, :_N], agg2[1, :_N], t3, dinv,
                 b2.reshape(1, _H2), batch.reshape(_N, 1), W3,
                 b3.reshape(1, 1))
    return out

# --- scband reference (transcript-rebuilt; emitter-appended) ---
"""Pipeline reference for scband-gcn-33054068310762 (READ-ONLY COPY).

The authoritative reference and input builder live on the scoring server;
editing this copy changes nothing except your own understanding.
"""

import jax, jax.numpy as jnp
import numpy as np

N = 10000
E = 320000
F_IN = 128
H1 = 64
H2 = 4
G = 64


def _gcn_conv(x, edge_index, W, b, num_nodes):
    # x' = x @ W
    xw = x @ W
    # add self loops
    loop = jnp.arange(num_nodes, dtype=edge_index.dtype)
    src = jnp.concatenate([edge_index[0], loop])
    dst = jnp.concatenate([edge_index[1], loop])
    # symmetric normalization: deg computed on dst with unit edge weights
    deg = jax.ops.segment_sum(jnp.ones_like(dst, dtype=xw.dtype), dst, num_segments=num_nodes)
    deg_inv_sqrt = jnp.where(deg > 0, deg ** -0.5, 0.0)
    norm = deg_inv_sqrt[src] * deg_inv_sqrt[dst]
    # message = norm * x'[src]; aggregate sum at dst
    msg = norm[:, None] * jnp.take(xw, src, axis=0)
    out = jax.ops.segment_sum(msg, dst, num_segments=num_nodes)
    return out + b


def setup_inputs(seed: int = 0) -> dict:
    key = jax.random.key(seed)
    ks = jax.random.split(key, 9)
    x = jax.random.normal(ks[0], (N, F_IN), dtype=jnp.float32)
    edge_index = jax.random.randint(ks[1], (2, E), 0, N, dtype=jnp.int32)
    batch = jnp.sort(jax.random.randint(ks[2], (N,), 0, G, dtype=jnp.int32))
    W1 = jax.random.normal(ks[3], (F_IN, H1), dtype=jnp.float32) / np.sqrt(F_IN)
    b1 = jnp.zeros((H1,), dtype=jnp.float32)
    W2 = jax.random.normal(ks[4], (H1, H2), dtype=jnp.float32) / np.sqrt(H1)
    b2 = jnp.zeros((H2,), dtype=jnp.float32)
    W3 = jax.random.normal(ks[5], (H2, 1), dtype=jnp.float32) / np.sqrt(H2)
    b3 = jnp.zeros((1,), dtype=jnp.float32)
    return {"x": x, "edge_index": edge_index, "batch": batch,
            "W1": W1, "b1": b1, "W2": W2, "b2": b2, "W3": W3, "b3": b3}


def reference(x, edge_index, batch, W1, b1, W2, b2, W3, b3):
    h = _gcn_conv(x, edge_index, W1, b1, N)
    h = jax.nn.elu(h)
    # dropout is identity in eval mode (training=False)
    h = _gcn_conv(h, edge_index, W2, b2, N)
    h = jax.nn.elu(h)
    # scatter mean over graph batch assignment
    sums = jax.ops.segment_sum(h, batch, num_segments=G)
    counts = jax.ops.segment_sum(jnp.ones((N, 1), dtype=h.dtype), batch, num_segments=G)
    mean = sums / jnp.maximum(counts, 1.0)
    out = mean @ W3 + b3
    return out

if __name__ == "__main__":
    import jax
    _d = setup_inputs()
    print(jax.jit(kernel)(*tuple(_d.values())))

</pallas_src>

<mosaic_0001>
#map = affine_map<(d0, d1) -> (0, 0, 0)>
#map1 = affine_map<(d0, d1) -> (0, 0)>
module attributes {stable_mosaic.version = 14 : i64} {
  func.func @agg(%arg0: i32, %arg1: i32, %arg2: memref<32x79x128xi32, #tpu.memory_space<hbm>>, %arg3: memref<32x79x128xi32, #tpu.memory_space<hbm>>, %arg4: memref<128x1xf32, #tpu.memory_space<hbm>>, %arg5: memref<10240x1xf32, #tpu.memory_space<hbm>>, %arg6: memref<2x10240x1xf32, #tpu.memory_space<hbm>>, %arg7: memref<79x128xi32, #tpu.memory_space<vmem>>, %arg8: memref<79x128xi32, #tpu.memory_space<vmem>>, %arg9: memref<10240x1xf32, #tpu.memory_space<vmem_shared>>, %arg10: memref<128x1xf32, #tpu.memory_space<vmem>>, %arg11: memref<!tpu.dma_semaphore, #tpu.memory_space<semaphore_mem>>) attributes {dimension_semantics = [#tpu.dimension_semantics<core_parallel>, #tpu.dimension_semantics<subcore_parallel>], iteration_bounds = array<i64: 2, 16>, scalar_prefetch = 0 : i64, scratch_operands = 5 : i64, tpu.core_type = #tpu.core_type<sc_vector_subcore>, window_params = [{transform_indices = #map}, {transform_indices = #map}, {transform_indices = #map1}, {transform_indices = #map1}, {transform_indices = #map}]} {
    %mul3A = arith.constant 16 : i32
    %mul3A_0 = arith.muli %arg0, %mul3A : i32
    %add3A = arith.addi %mul3A_0, %arg1 : i32
    %mul3A_1 = arith.constant 640 : i32
    %mul3A_2 = arith.muli %arg1, %mul3A_1 : i32
    %mul3A_3 = arith.constant 640 : i32
    %mul3A_4 = arith.muli %arg1, %mul3A_3 : i32
    "tpu.region"() ({
      %run_scoped3A = tpu.sem_alloc : memref<!tpu.dma_semaphore, #tpu.memory_space<semaphore_mem>>
      %dma_start3A = arith.constant 0 : i32
      %dma_start3A_15 = tpu.memref_slice %arg9[%mul3A_4, %dma_start3A] : memref<10240x1xf32, #tpu.memory_space<vmem_shared>> -> memref<640x1xf32, #tpu.memory_space<vmem_shared>>
      %dma_start3A_16 = arith.constant 0 : i32
      %dma_start3A_17 = tpu.memref_slice %arg5[%mul3A_2, %dma_start3A_16] : memref<10240x1xf32, #tpu.memory_space<hbm>> -> memref<640x1xf32, #tpu.memory_space<hbm>>
      tpu.enqueue_dma source(%dma_start3A_17 : memref<640x1xf32, #tpu.memory_space<hbm>>) target(%dma_start3A_15 : memref<640x1xf32, #tpu.memory_space<vmem_shared>>) target_semaphore(%run_scoped3A : memref<!tpu.dma_semaphore, #tpu.memory_space<semaphore_mem>>)
      %dma_wait3A = arith.constant 0 : i32
      %dma_wait3A_18 = tpu.memref_slice %arg9[%mul3A_4, %dma_wait3A] : memref<10240x1xf32, #tpu.memory_space<vmem_shared>> -> memref<640x1xf32, #tpu.memory_space<vmem_shared>>
      %dma_wait3A_19 = arith.constant 0 : i32
      %dma_wait3A_20 = tpu.memref_slice %arg5[%mul3A_2, %dma_wait3A_19] : memref<10240x1xf32, #tpu.memory_space<hbm>> -> memref<640x1xf32, #tpu.memory_space<hbm>>
      tpu.wait_dma2 semaphore(%run_scoped3A : memref<!tpu.dma_semaphore, #tpu.memory_space<semaphore_mem>>) src(%dma_wait3A_20 : memref<640x1xf32, #tpu.memory_space<hbm>>) dst(%dma_wait3A_18 : memref<640x1xf32, #tpu.memory_space<vmem_shared>>)
      tpu.yield
    }) : () -> ()
    "tpu.region"() ({
      %run_scoped3A = tpu.sem_alloc : memref<!tpu.dma_semaphore, #tpu.memory_space<semaphore_mem>>
      %dma_start3A = arith.constant 0 : i32
      %dma_start3A_15 = arith.constant 0 : i32
      %dma_start3A_16 = tpu.memref_slice %arg2[%add3A, %dma_start3A, %dma_start3A_15] : memref<32x79x128xi32, #tpu.memory_space<hbm>> -> memref<1x79x128xi32, #tpu.memory_space<hbm>>
      %dma_start3A_17 = tpu.memref_squeeze %dma_start3A_16 : memref<1x79x128xi32, #tpu.memory_space<hbm>> -> memref<79x128xi32, #tpu.memory_space<hbm>>
      %dma_start3A_18 = arith.constant 0 : i32
      %dma_start3A_19 = arith.constant 0 : i32
      %dma_start3A_20 = tpu.memref_slice %arg2[%add3A, %dma_start3A_18, %dma_start3A_19] : memref<32x79x128xi32, #tpu.memory_space<hbm>> -> memref<1x79x128xi32, #tpu.memory_space<hbm>>
      %dma_start3A_21 = tpu.memref_squeeze %dma_start3A_20 : memref<1x79x128xi32, #tpu.memory_space<hbm>> -> memref<79x128xi32, #tpu.memory_space<hbm>>
      tpu.enqueue_dma source(%dma_start3A_21 : memref<79x128xi32, #tpu.memory_space<hbm>>) target(%arg7 : memref<79x128xi32, #tpu.memory_space<vmem>>) target_semaphore(%run_scoped3A : memref<!tpu.dma_semaphore, #tpu.memory_space<semaphore_mem>>)
      %dma_wait3A = arith.constant 0 : i32
      %dma_wait3A_22 = arith.constant 0 : i32
      %dma_wait3A_23 = tpu.memref_slice %arg2[%add3A, %dma_wait3A, %dma_wait3A_22] : memref<32x79x128xi32, #tpu.memory_space<hbm>> -> memref<1x79x128xi32, #tpu.memory_space<hbm>>
      %dma_wait3A_24 = tpu.memref_squeeze %dma_wait3A_23 : memref<1x79x128xi32, #tpu.memory_space<hbm>> -> memref<79x128xi32, #tpu.memory_space<hbm>>
      %dma_wait3A_25 = arith.constant 0 : i32
      %dma_wait3A_26 = arith.constant 0 : i32
      %dma_wait3A_27 = tpu.memref_slice %arg2[%add3A, %dma_wait3A_25, %dma_wait3A_26] : memref<32x79x128xi32, #tpu.memory_space<hbm>> -> memref<1x79x128xi32, #tpu.memory_space<hbm>>
      %dma_wait3A_28 = tpu.memref_squeeze %dma_wait3A_27 : memref<1x79x128xi32, #tpu.memory_space<hbm>> -> memref<79x128xi32, #tpu.memory_space<hbm>>
      tpu.wait_dma2 semaphore(%run_scoped3A : memref<!tpu.dma_semaphore, #tpu.memory_space<semaphore_mem>>) src(%dma_wait3A_28 : memref<79x128xi32, #tpu.memory_space<hbm>>) dst(%arg7 : memref<79x128xi32, #tpu.memory_space<vmem>>)
      tpu.yield
    }) : () -> ()
    "tpu.region"() ({
      %run_scoped3A = tpu.sem_alloc : memref<!tpu.dma_semaphore, #tpu.memory_space<semaphore_mem>>
      %dma_start3A = arith.constant 0 : i32
      %dma_start3A_15 = arith.constant 0 : i32
      %dma_start3A_16 = tpu.memref_slice %arg3[%add3A, %dma_start3A, %dma_start3A_15] : memref<32x79x128xi32, #tpu.memory_space<hbm>> -> memref<1x79x128xi32, #tpu.memory_space<hbm>>
      %dma_start3A_17 = tpu.memref_squeeze %dma_start3A_16 : memref<1x79x128xi32, #tpu.memory_space<hbm>> -> memref<79x128xi32, #tpu.memory_space<hbm>>
      %dma_start3A_18 = arith.constant 0 : i32
      %dma_start3A_19 = arith.constant 0 : i32
      %dma_start3A_20 = tpu.memref_slice %arg3[%add3A, %dma_start3A_18, %dma_start3A_19] : memref<32x79x128xi32, #tpu.memory_space<hbm>> -> memref<1x79x128xi32, #tpu.memory_space<hbm>>
      %dma_start3A_21 = tpu.memref_squeeze %dma_start3A_20 : memref<1x79x128xi32, #tpu.memory_space<hbm>> -> memref<79x128xi32, #tpu.memory_space<hbm>>
      tpu.enqueue_dma source(%dma_start3A_21 : memref<79x128xi32, #tpu.memory_space<hbm>>) target(%arg8 : memref<79x128xi32, #tpu.memory_space<vmem>>) target_semaphore(%run_scoped3A : memref<!tpu.dma_semaphore, #tpu.memory_space<semaphore_mem>>)
      %dma_wait3A = arith.constant 0 : i32
      %dma_wait3A_22 = arith.constant 0 : i32
      %dma_wait3A_23 = tpu.memref_slice %arg3[%add3A, %dma_wait3A, %dma_wait3A_22] : memref<32x79x128xi32, #tpu.memory_space<hbm>> -> memref<1x79x128xi32, #tpu.memory_space<hbm>>
      %dma_wait3A_24 = tpu.memref_squeeze %dma_wait3A_23 : memref<1x79x128xi32, #tpu.memory_space<hbm>> -> memref<79x128xi32, #tpu.memory_space<hbm>>
      %dma_wait3A_25 = arith.constant 0 : i32
      %dma_wait3A_26 = arith.constant 0 : i32
      %dma_wait3A_27 = tpu.memref_slice %arg3[%add3A, %dma_wait3A_25, %dma_wait3A_26] : memref<32x79x128xi32, #tpu.memory_space<hbm>> -> memref<1x79x128xi32, #tpu.memory_space<hbm>>
      %dma_wait3A_28 = tpu.memref_squeeze %dma_wait3A_27 : memref<1x79x128xi32, #tpu.memory_space<hbm>> -> memref<79x128xi32, #tpu.memory_space<hbm>>
      tpu.wait_dma2 semaphore(%run_scoped3A : memref<!tpu.dma_semaphore, #tpu.memory_space<semaphore_mem>>) src(%dma_wait3A_28 : memref<79x128xi32, #tpu.memory_space<hbm>>) dst(%arg8 : memref<79x128xi32, #tpu.memory_space<vmem>>)
      tpu.yield
    }) : () -> ()
    "tpu.region"() ({
      %run_scoped3A = tpu.sem_alloc : memref<!tpu.dma_semaphore, #tpu.memory_space<semaphore_mem>>
      tpu.enqueue_dma source(%arg4 : memref<128x1xf32, #tpu.memory_space<hbm>>) target(%arg10 : memref<128x1xf32, #tpu.memory_space<vmem>>) target_semaphore(%run_scoped3A : memref<!tpu.dma_semaphore, #tpu.memory_space<semaphore_mem>>)
      tpu.wait_dma2 semaphore(%run_scoped3A : memref<!tpu.dma_semaphore, #tpu.memory_space<semaphore_mem>>) src(%arg4 : memref<128x1xf32, #tpu.memory_space<hbm>>) dst(%arg10 : memref<128x1xf32, #tpu.memory_space<vmem>>)
      tpu.yield
    }) : () -> ()
    %barrier3A = arith.constant 0 : index
    tpu.barrier barrier_id(%barrier3A)
    %scan3A = arith.constant 0 : i32
    %scan3A_5 = arith.constant 0 : i32
    %scan3A_6 = arith.constant 79 : i32
    %scan3A_7 = arith.addi %scan3A_5, %scan3A_6 : i32
    %scan3A_8 = arith.constant 1 : i32
    scf.for %scan3A_15 = %scan3A_5 to %scan3A_7 step %scan3A_8  : i32 {
      "tpu.region"() ({
        %run_scoped3A = tpu.sem_alloc : memref<!tpu.dma_semaphore, #tpu.memory_space<semaphore_mem>>
        %dma_start3A = arith.constant 0 : i32
        %dma_start3A_16 = tpu.memref_slice %arg8[%scan3A_15, %dma_start3A] : memref<79x128xi32, #tpu.memory_space<vmem>> -> memref<1x128xi32, #tpu.memory_space<vmem>>
        %dma_start3A_17 = tpu.memref_squeeze %dma_start3A_16 : memref<1x128xi32, #tpu.memory_space<vmem>> -> memref<128xi32, #tpu.memory_space<vmem>>
        %dma_start3A_18 = arith.constant 0 : i32
        %dma_start3A_19 = arith.constant 0 : i32
        %dma_start3A_20 = tpu.memref_slice %arg9[%dma_start3A_18, %dma_start3A_19] : memref<10240x1xf32, #tpu.memory_space<vmem_shared>> -> memref<10240x1xf32, #tpu.memory_space<vmem_shared>>
        tpu.enqueue_indirect_dma source(%arg10 : memref<128x1xf32, #tpu.memory_space<vmem>>) target(%dma_start3A_20 : memref<10240x1xf32, #tpu.memory_space<vmem_shared>>) offsets(%dma_start3A_17 : memref<128xi32, #tpu.memory_space<vmem>>) semaphore(%run_scoped3A : memref<!tpu.dma_semaphore, #tpu.memory_space<semaphore_mem>>) {add = true}
        %dma_wait3A = arith.constant 0 : i32
        %dma_wait3A_21 = tpu.memref_slice %arg8[%scan3A_15, %dma_wait3A] : memref<79x128xi32, #tpu.memory_space<vmem>> -> memref<1x128xi32, #tpu.memory_space<vmem>>
        %dma_wait3A_22 = tpu.memref_squeeze %dma_wait3A_21 : memref<1x128xi32, #tpu.memory_space<vmem>> -> memref<128xi32, #tpu.memory_space<vmem>>
        %dma_wait3A_23 = arith.constant 0 : i32
        %dma_wait3A_24 = arith.constant 0 : i32
        %dma_wait3A_25 = tpu.memref_slice %arg9[%dma_wait3A_23, %dma_wait3A_24] : memref<10240x1xf32, #tpu.memory_space<vmem_shared>> -> memref<10240x1xf32, #tpu.memory_space<vmem_shared>>
        tpu.wait_indirect_dma semaphore(%run_scoped3A : memref<!tpu.dma_semaphore, #tpu.memory_space<semaphore_mem>>) src(%arg10 : memref<128x1xf32, #tpu.memory_space<vmem>>) dst(%dma_wait3A_25 : memref<10240x1xf32, #tpu.memory_space<vmem_shared>>)
        tpu.yield
      }) : () -> ()
    }
    %scan3A_9 = arith.constant 79 : i32
    %barrier3A_10 = arith.constant 0 : index
    tpu.barrier barrier_id(%barrier3A_10)
    %mul3A_11 = arith.constant 640 : i32
    %mul3A_12 = arith.muli %arg1, %mul3A_11 : i32
    %mul3A_13 = arith.constant 640 : i32
    %mul3A_14 = arith.muli %arg1, %mul3A_13 : i32
    "tpu.region"() ({
      %run_scoped3A = tpu.sem_alloc : memref<!tpu.dma_semaphore, #tpu.memory_space<semaphore_mem>>
      %dma_start3A = arith.constant 0 : i32
      %dma_start3A_15 = tpu.memref_slice %arg6[%arg0, %mul3A_14, %dma_start3A] : memref<2x10240x1xf32, #tpu.memory_space<hbm>> -> memref<1x640x1xf32, #tpu.memory_space<hbm>>
      %dma_start3A_16 = tpu.memref_squeeze %dma_start3A_15 : memref<1x640x1xf32, #tpu.memory_space<hbm>> -> memref<640x1xf32, #tpu.memory_space<hbm>>
      %dma_start3A_17 = arith.constant 0 : i32
      %dma_start3A_18 = tpu.memref_slice %arg9[%mul3A_12, %dma_start3A_17] : memref<10240x1xf32, #tpu.memory_space<vmem_shared>> -> memref<640x1xf32, #tpu.memory_space<vmem_shared>>
      tpu.enqueue_dma source(%dma_start3A_18 : memref<640x1xf32, #tpu.memory_space<vmem_shared>>) target(%dma_start3A_16 : memref<640x1xf32, #tpu.memory_space<hbm>>) target_semaphore(%run_scoped3A : memref<!tpu.dma_semaphore, #tpu.memory_space<semaphore_mem>>)
      %dma_wait3A = arith.constant 0 : i32
      %dma_wait3A_19 = tpu.memref_slice %arg6[%arg0, %mul3A_14, %dma_wait3A] : memref<2x10240x1xf32, #tpu.memory_space<hbm>> -> memref<1x640x1xf32, #tpu.memory_space<hbm>>
      %dma_wait3A_20 = tpu.memref_squeeze %dma_wait3A_19 : memref<1x640x1xf32, #tpu.memory_space<hbm>> -> memref<640x1xf32, #tpu.memory_space<hbm>>
      %dma_wait3A_21 = arith.constant 0 : i32
      %dma_wait3A_22 = tpu.memref_slice %arg9[%mul3A_12, %dma_wait3A_21] : memref<10240x1xf32, #tpu.memory_space<vmem_shared>> -> memref<640x1xf32, #tpu.memory_space<vmem_shared>>
      tpu.wait_dma2 semaphore(%run_scoped3A : memref<!tpu.dma_semaphore, #tpu.memory_space<semaphore_mem>>) src(%dma_wait3A_22 : memref<640x1xf32, #tpu.memory_space<vmem_shared>>) dst(%dma_wait3A_20 : memref<640x1xf32, #tpu.memory_space<hbm>>)
      tpu.yield
    }) : () -> ()
    return
  }
}

#map = affine_map<(d0, d1) -> (0, 0, 0)>
#map1 = affine_map<(d0, d1) -> (0, 0)>
module attributes {stable_mosaic.version = 14 : i64} {
  func.func @agg(%arg0: i32, %arg1: i32, %arg2: memref<32x79x128xi32, #tpu.memory_space<hbm>>, %arg3: memref<32x79x128xi32, #tpu.memory_space<hbm>>, %arg4: memref<10000x4xf32, #tpu.memory_space<hbm>>, %arg5: memref<10240x4xf32, #tpu.memory_space<hbm>>, %arg6: memref<2x10240x4xf32, #tpu.memory_space<hbm>>, %arg7: memref<79x128xi32, #tpu.memory_space<vmem>>, %arg8: memref<79x128xi32, #tpu.memory_space<vmem>>, %arg9: memref<10240x4xf32, #tpu.memory_space<vmem_shared>>, %arg10: memref<128x4xf32, #tpu.memory_space<vmem>>, %arg11: memref<!tpu.dma_semaphore, #tpu.memory_space<semaphore_mem>>) attributes {dimension_semantics = [#tpu.dimension_semantics<core_parallel>, #tpu.dimension_semantics<subcore_parallel>], iteration_bounds = array<i64: 2, 16>, scalar_prefetch = 0 : i64, scratch_operands = 5 : i64, tpu.core_type = #tpu.core_type<sc_vector_subcore>, window_params = [{transform_indices = #map}, {transform_indices = #map}, {transform_indices = #map1}, {transform_indices = #map1}, {transform_indices = #map}]} {
    %mul3A = arith.constant 16 : i32
    %mul3A_0 = arith.muli %arg0, %mul3A : i32
    %add3A = arith.addi %mul3A_0, %arg1 : i32
    %mul3A_1 = arith.constant 640 : i32
    %mul3A_2 = arith.muli %arg1, %mul3A_1 : i32
    %mul3A_3 = arith.constant 640 : i32
    %mul3A_4 = arith.muli %arg1, %mul3A_3 : i32
    "tpu.region"() ({
      %run_scoped3A = tpu.sem_alloc : memref<!tpu.dma_semaphore, #tpu.memory_space<semaphore_mem>>
      %dma_start3A = arith.constant 0 : i32
      %dma_start3A_15 = tpu.memref_slice %arg9[%mul3A_4, %dma_start3A] : memref<10240x4xf32, #tpu.memory_space<vmem_shared>> -> memref<640x4xf32, #tpu.memory_space<vmem_shared>>
      %dma_start3A_16 = arith.constant 0 : i32
      %dma_start3A_17 = tpu.memref_slice %arg5[%mul3A_2, %dma_start3A_16] : memref<10240x4xf32, #tpu.memory_space<hbm>> -> memref<640x4xf32, #tpu.memory_space<hbm>>
      tpu.enqueue_dma source(%dma_start3A_17 : memref<640x4xf32, #tpu.memory_space<hbm>>) target(%dma_start3A_15 : memref<640x4xf32, #tpu.memory_space<vmem_shared>>) target_semaphore(%run_scoped3A : memref<!tpu.dma_semaphore, #tpu.memory_space<semaphore_mem>>)
      %dma_wait3A = arith.constant 0 : i32
      %dma_wait3A_18 = tpu.memref_slice %arg9[%mul3A_4, %dma_wait3A] : memref<10240x4xf32, #tpu.memory_space<vmem_shared>> -> memref<640x4xf32, #tpu.memory_space<vmem_shared>>
      %dma_wait3A_19 = arith.constant 0 : i32
      %dma_wait3A_20 = tpu.memref_slice %arg5[%mul3A_2, %dma_wait3A_19] : memref<10240x4xf32, #tpu.memory_space<hbm>> -> memref<640x4xf32, #tpu.memory_space<hbm>>
      tpu.wait_dma2 semaphore(%run_scoped3A : memref<!tpu.dma_semaphore, #tpu.memory_space<semaphore_mem>>) src(%dma_wait3A_20 : memref<640x4xf32, #tpu.memory_space<hbm>>) dst(%dma_wait3A_18 : memref<640x4xf32, #tpu.memory_space<vmem_shared>>)
      tpu.yield
    }) : () -> ()
    "tpu.region"() ({
      %run_scoped3A = tpu.sem_alloc : memref<!tpu.dma_semaphore, #tpu.memory_space<semaphore_mem>>
      %dma_start3A = arith.constant 0 : i32
      %dma_start3A_15 = arith.constant 0 : i32
      %dma_start3A_16 = tpu.memref_slice %arg2[%add3A, %dma_start3A, %dma_start3A_15] : memref<32x79x128xi32, #tpu.memory_space<hbm>> -> memref<1x79x128xi32, #tpu.memory_space<hbm>>
      %dma_start3A_17 = tpu.memref_squeeze %dma_start3A_16 : memref<1x79x128xi32, #tpu.memory_space<hbm>> -> memref<79x128xi32, #tpu.memory_space<hbm>>
      %dma_start3A_18 = arith.constant 0 : i32
      %dma_start3A_19 = arith.constant 0 : i32
      %dma_start3A_20 = tpu.memref_slice %arg2[%add3A, %dma_start3A_18, %dma_start3A_19] : memref<32x79x128xi32, #tpu.memory_space<hbm>> -> memref<1x79x128xi32, #tpu.memory_space<hbm>>
      %dma_start3A_21 = tpu.memref_squeeze %dma_start3A_20 : memref<1x79x128xi32, #tpu.memory_space<hbm>> -> memref<79x128xi32, #tpu.memory_space<hbm>>
      tpu.enqueue_dma source(%dma_start3A_21 : memref<79x128xi32, #tpu.memory_space<hbm>>) target(%arg7 : memref<79x128xi32, #tpu.memory_space<vmem>>) target_semaphore(%run_scoped3A : memref<!tpu.dma_semaphore, #tpu.memory_space<semaphore_mem>>)
      %dma_wait3A = arith.constant 0 : i32
      %dma_wait3A_22 = arith.constant 0 : i32
      %dma_wait3A_23 = tpu.memref_slice %arg2[%add3A, %dma_wait3A, %dma_wait3A_22] : memref<32x79x128xi32, #tpu.memory_space<hbm>> -> memref<1x79x128xi32, #tpu.memory_space<hbm>>
      %dma_wait3A_24 = tpu.memref_squeeze %dma_wait3A_23 : memref<1x79x128xi32, #tpu.memory_space<hbm>> -> memref<79x128xi32, #tpu.memory_space<hbm>>
      %dma_wait3A_25 = arith.constant 0 : i32
      %dma_wait3A_26 = arith.constant 0 : i32
      %dma_wait3A_27 = tpu.memref_slice %arg2[%add3A, %dma_wait3A_25, %dma_wait3A_26] : memref<32x79x128xi32, #tpu.memory_space<hbm>> -> memref<1x79x128xi32, #tpu.memory_space<hbm>>
      %dma_wait3A_28 = tpu.memref_squeeze %dma_wait3A_27 : memref<1x79x128xi32, #tpu.memory_space<hbm>> -> memref<79x128xi32, #tpu.memory_space<hbm>>
      tpu.wait_dma2 semaphore(%run_scoped3A : memref<!tpu.dma_semaphore, #tpu.memory_space<semaphore_mem>>) src(%dma_wait3A_28 : memref<79x128xi32, #tpu.memory_space<hbm>>) dst(%arg7 : memref<79x128xi32, #tpu.memory_space<vmem>>)
      tpu.yield
    }) : () -> ()
    "tpu.region"() ({
      %run_scoped3A = tpu.sem_alloc : memref<!tpu.dma_semaphore, #tpu.memory_space<semaphore_mem>>
      %dma_start3A = arith.constant 0 : i32
      %dma_start3A_15 = arith.constant 0 : i32
      %dma_start3A_16 = tpu.memref_slice %arg3[%add3A, %dma_start3A, %dma_start3A_15] : memref<32x79x128xi32, #tpu.memory_space<hbm>> -> memref<1x79x128xi32, #tpu.memory_space<hbm>>
      %dma_start3A_17 = tpu.memref_squeeze %dma_start3A_16 : memref<1x79x128xi32, #tpu.memory_space<hbm>> -> memref<79x128xi32, #tpu.memory_space<hbm>>
      %dma_start3A_18 = arith.constant 0 : i32
      %dma_start3A_19 = arith.constant 0 : i32
      %dma_start3A_20 = tpu.memref_slice %arg3[%add3A, %dma_start3A_18, %dma_start3A_19] : memref<32x79x128xi32, #tpu.memory_space<hbm>> -> memref<1x79x128xi32, #tpu.memory_space<hbm>>
      %dma_start3A_21 = tpu.memref_squeeze %dma_start3A_20 : memref<1x79x128xi32, #tpu.memory_space<hbm>> -> memref<79x128xi32, #tpu.memory_space<hbm>>
      tpu.enqueue_dma source(%dma_start3A_21 : memref<79x128xi32, #tpu.memory_space<hbm>>) target(%arg8 : memref<79x128xi32, #tpu.memory_space<vmem>>) target_semaphore(%run_scoped3A : memref<!tpu.dma_semaphore, #tpu.memory_space<semaphore_mem>>)
      %dma_wait3A = arith.constant 0 : i32
      %dma_wait3A_22 = arith.constant 0 : i32
      %dma_wait3A_23 = tpu.memref_slice %arg3[%add3A, %dma_wait3A, %dma_wait3A_22] : memref<32x79x128xi32, #tpu.memory_space<hbm>> -> memref<1x79x128xi32, #tpu.memory_space<hbm>>
      %dma_wait3A_24 = tpu.memref_squeeze %dma_wait3A_23 : memref<1x79x128xi32, #tpu.memory_space<hbm>> -> memref<79x128xi32, #tpu.memory_space<hbm>>
      %dma_wait3A_25 = arith.constant 0 : i32
      %dma_wait3A_26 = arith.constant 0 : i32
      %dma_wait3A_27 = tpu.memref_slice %arg3[%add3A, %dma_wait3A_25, %dma_wait3A_26] : memref<32x79x128xi32, #tpu.memory_space<hbm>> -> memref<1x79x128xi32, #tpu.memory_space<hbm>>
      %dma_wait3A_28 = tpu.memref_squeeze %dma_wait3A_27 : memref<1x79x128xi32, #tpu.memory_space<hbm>> -> memref<79x128xi32, #tpu.memory_space<hbm>>
      tpu.wait_dma2 semaphore(%run_scoped3A : memref<!tpu.dma_semaphore, #tpu.memory_space<semaphore_mem>>) src(%dma_wait3A_28 : memref<79x128xi32, #tpu.memory_space<hbm>>) dst(%arg8 : memref<79x128xi32, #tpu.memory_space<vmem>>)
      tpu.yield
    }) : () -> ()
    %barrier3A = arith.constant 0 : index
    tpu.barrier barrier_id(%barrier3A)
    %scan3A = arith.constant 0 : i32
    %scan3A_5 = arith.constant 0 : i32
    %scan3A_6 = arith.constant 79 : i32
    %scan3A_7 = arith.addi %scan3A_5, %scan3A_6 : i32
    %scan3A_8 = arith.constant 1 : i32
    scf.for %scan3A_15 = %scan3A_5 to %scan3A_7 step %scan3A_8  : i32 {
      %dma_start3A = arith.constant 0 : i32
      %dma_start3A_16 = tpu.memref_slice %arg7[%scan3A_15, %dma_start3A] : memref<79x128xi32, #tpu.memory_space<vmem>> -> memref<1x128xi32, #tpu.memory_space<vmem>>
      %dma_start3A_17 = tpu.memref_squeeze %dma_start3A_16 : memref<1x128xi32, #tpu.memory_space<vmem>> -> memref<128xi32, #tpu.memory_space<vmem>>
      %dma_start3A_18 = arith.constant 0 : i32
      %dma_start3A_19 = arith.constant 0 : i32
      %dma_start3A_20 = tpu.memref_slice %arg4[%dma_start3A_18, %dma_start3A_19] : memref<10000x4xf32, #tpu.memory_space<hbm>> -> memref<10000x4xf32, #tpu.memory_space<hbm>>
      tpu.enqueue_indirect_dma source(%dma_start3A_20 : memref<10000x4xf32, #tpu.memory_space<hbm>>) target(%arg10 : memref<128x4xf32, #tpu.memory_space<vmem>>) offsets(%dma_start3A_17 : memref<128xi32, #tpu.memory_space<vmem>>) semaphore(%arg11 : memref<!tpu.dma_semaphore, #tpu.memory_space<semaphore_mem>>)
      %dma_wait3A = arith.constant 0 : i32
      %dma_wait3A_21 = tpu.memref_slice %arg7[%scan3A_15, %dma_wait3A] : memref<79x128xi32, #tpu.memory_space<vmem>> -> memref<1x128xi32, #tpu.memory_space<vmem>>
      %dma_wait3A_22 = tpu.memref_squeeze %dma_wait3A_21 : memref<1x128xi32, #tpu.memory_space<vmem>> -> memref<128xi32, #tpu.memory_space<vmem>>
      %dma_wait3A_23 = arith.constant 0 : i32
      %dma_wait3A_24 = arith.constant 0 : i32
      %dma_wait3A_25 = tpu.memref_slice %arg4[%dma_wait3A_23, %dma_wait3A_24] : memref<10000x4xf32, #tpu.memory_space<hbm>> -> memref<10000x4xf32, #tpu.memory_space<hbm>>
      tpu.wait_indirect_dma semaphore(%arg11 : memref<!tpu.dma_semaphore, #tpu.memory_space<semaphore_mem>>) src(%dma_wait3A_25 : memref<10000x4xf32, #tpu.memory_space<hbm>>) dst(%arg10 : memref<128x4xf32, #tpu.memory_space<vmem>>)
      "tpu.region"() ({
        %run_scoped3A = tpu.sem_alloc : memref<!tpu.dma_semaphore, #tpu.memory_space<semaphore_mem>>
        %dma_start3A_26 = arith.constant 0 : i32
        %dma_start3A_27 = tpu.memref_slice %arg8[%scan3A_15, %dma_start3A_26] : memref<79x128xi32, #tpu.memory_space<vmem>> -> memref<1x128xi32, #tpu.memory_space<vmem>>
        %dma_start3A_28 = tpu.memref_squeeze %dma_start3A_27 : memref<1x128xi32, #tpu.memory_space<vmem>> -> memref<128xi32, #tpu.memory_space<vmem>>
        %dma_start3A_29 = arith.constant 0 : i32
        %dma_start3A_30 = arith.constant 0 : i32
        %dma_start3A_31 = tpu.memref_slice %arg9[%dma_start3A_29, %dma_start3A_30] : memref<10240x4xf32, #tpu.memory_space<vmem_shared>> -> memref<10240x4xf32, #tpu.memory_space<vmem_shared>>
        tpu.enqueue_indirect_dma source(%arg10 : memref<128x4xf32, #tpu.memory_space<vmem>>) target(%dma_start3A_31 : memref<10240x4xf32, #tpu.memory_space<vmem_shared>>) offsets(%dma_start3A_28 : memref<128xi32, #tpu.memory_space<vmem>>) semaphore(%run_scoped3A : memref<!tpu.dma_semaphore, #tpu.memory_space<semaphore_mem>>) {add = true}
        %dma_wait3A_32 = arith.constant 0 : i32
        %dma_wait3A_33 = tpu.memref_slice %arg8[%scan3A_15, %dma_wait3A_32] : memref<79x128xi32, #tpu.memory_space<vmem>> -> memref<1x128xi32, #tpu.memory_space<vmem>>
        %dma_wait3A_34 = tpu.memref_squeeze %dma_wait3A_33 : memref<1x128xi32, #tpu.memory_space<vmem>> -> memref<128xi32, #tpu.memory_space<vmem>>
        %dma_wait3A_35 = arith.constant 0 : i32
        %dma_wait3A_36 = arith.constant 0 : i32
        %dma_wait3A_37 = tpu.memref_slice %arg9[%dma_wait3A_35, %dma_wait3A_36] : memref<10240x4xf32, #tpu.memory_space<vmem_shared>> -> memref<10240x4xf32, #tpu.memory_space<vmem_shared>>
        tpu.wait_indirect_dma semaphore(%run_scoped3A : memref<!tpu.dma_semaphore, #tpu.memory_space<semaphore_mem>>) src(%arg10 : memref<128x4xf32, #tpu.memory_space<vmem>>) dst(%dma_wait3A_37 : memref<10240x4xf32, #tpu.memory_space<vmem_shared>>)
        tpu.yield
      }) : () -> ()
    }
    %scan3A_9 = arith.constant 79 : i32
    %barrier3A_10 = arith.constant 0 : index
    tpu.barrier barrier_id(%barrier3A_10)
    %mul3A_11 = arith.constant 640 : i32
    %mul3A_12 = arith.muli %arg1, %mul3A_11 : i32
    %mul3A_13 = arith.constant 640 : i32
    %mul3A_14 = arith.muli %arg1, %mul3A_13 : i32
    "tpu.region"() ({
      %run_scoped3A = tpu.sem_alloc : memref<!tpu.dma_semaphore, #tpu.memory_space<semaphore_mem>>
      %dma_start3A = arith.constant 0 : i32
      %dma_start3A_15 = tpu.memref_slice %arg6[%arg0, %mul3A_14, %dma_start3A] : memref<2x10240x4xf32, #tpu.memory_space<hbm>> -> memref<1x640x4xf32, #tpu.memory_space<hbm>>
      %dma_start3A_16 = tpu.memref_squeeze %dma_start3A_15 : memref<1x640x4xf32, #tpu.memory_space<hbm>> -> memref<640x4xf32, #tpu.memory_space<hbm>>
      %dma_start3A_17 = arith.constant 0 : i32
      %dma_start3A_18 = tpu.memref_slice %arg9[%mul3A_12, %dma_start3A_17] : memref<10240x4xf32, #tpu.memory_space<vmem_shared>> -> memref<640x4xf32, #tpu.memory_space<vmem_shared>>
      tpu.enqueue_dma source(%dma_start3A_18 : memref<640x4xf32, #tpu.memory_space<vmem_shared>>) target(%dma_start3A_16 : memref<640x4xf32, #tpu.memory_space<hbm>>) target_semaphore(%run_scoped3A : memref<!tpu.dma_semaphore, #tpu.memory_space<semaphore_mem>>)
      %dma_wait3A = arith.constant 0 : i32
      %dma_wait3A_19 = tpu.memref_slice %arg6[%arg0, %mul3A_14, %dma_wait3A] : memref<2x10240x4xf32, #tpu.memory_space<hbm>> -> memref<1x640x4xf32, #tpu.memory_space<hbm>>
      %dma_wait3A_20 = tpu.memref_squeeze %dma_wait3A_19 : memref<1x640x4xf32, #tpu.memory_space<hbm>> -> memref<640x4xf32, #tpu.memory_space<hbm>>
      %dma_wait3A_21 = arith.constant 0 : i32
      %dma_wait3A_22 = tpu.memref_slice %arg9[%mul3A_12, %dma_wait3A_21] : memref<10240x4xf32, #tpu.memory_space<vmem_shared>> -> memref<640x4xf32, #tpu.memory_space<vmem_shared>>
      tpu.wait_dma2 semaphore(%run_scoped3A : memref<!tpu.dma_semaphore, #tpu.memory_space<semaphore_mem>>) src(%dma_wait3A_22 : memref<640x4xf32, #tpu.memory_space<vmem_shared>>) dst(%dma_wait3A_20 : memref<640x4xf32, #tpu.memory_space<hbm>>)
      tpu.yield
    }) : () -> ()
    return
  }
}

#map = affine_map<(d0, d1) -> (0, 0, 0)>
#map1 = affine_map<(d0, d1) -> (0, 0)>
module attributes {stable_mosaic.version = 14 : i64} {
  func.func @agg(%arg0: i32, %arg1: i32, %arg2: memref<32x79x128xi32, #tpu.memory_space<hbm>>, %arg3: memref<32x79x128xi32, #tpu.memory_space<hbm>>, %arg4: memref<10000x64xf32, #tpu.memory_space<hbm>>, %arg5: memref<10240x64xf32, #tpu.memory_space<hbm>>, %arg6: memref<2x10240x64xf32, #tpu.memory_space<hbm>>, %arg7: memref<79x128xi32, #tpu.memory_space<vmem>>, %arg8: memref<79x128xi32, #tpu.memory_space<vmem>>, %arg9: memref<10240x64xf32, #tpu.memory_space<vmem_shared>>, %arg10: memref<128x64xf32, #tpu.memory_space<vmem>>, %arg11: memref<!tpu.dma_semaphore, #tpu.memory_space<semaphore_mem>>) attributes {dimension_semantics = [#tpu.dimension_semantics<core_parallel>, #tpu.dimension_semantics<subcore_parallel>], iteration_bounds = array<i64: 2, 16>, scalar_prefetch = 0 : i64, scratch_operands = 5 : i64, tpu.core_type = #tpu.core_type<sc_vector_subcore>, window_params = [{transform_indices = #map}, {transform_indices = #map}, {transform_indices = #map1}, {transform_indices = #map1}, {transform_indices = #map}]} {
    %mul3A = arith.constant 16 : i32
    %mul3A_0 = arith.muli %arg0, %mul3A : i32
    %add3A = arith.addi %mul3A_0, %arg1 : i32
    %mul3A_1 = arith.constant 640 : i32
    %mul3A_2 = arith.muli %arg1, %mul3A_1 : i32
    %mul3A_3 = arith.constant 640 : i32
    %mul3A_4 = arith.muli %arg1, %mul3A_3 : i32
    "tpu.region"() ({
      %run_scoped3A = tpu.sem_alloc : memref<!tpu.dma_semaphore, #tpu.memory_space<semaphore_mem>>
      %dma_start3A = arith.constant 0 : i32
      %dma_start3A_15 = tpu.memref_slice %arg9[%mul3A_4, %dma_start3A] : memref<10240x64xf32, #tpu.memory_space<vmem_shared>> -> memref<640x64xf32, #tpu.memory_space<vmem_shared>>
      %dma_start3A_16 = arith.constant 0 : i32
      %dma_start3A_17 = tpu.memref_slice %arg5[%mul3A_2, %dma_start3A_16] : memref<10240x64xf32, #tpu.memory_space<hbm>> -> memref<640x64xf32, #tpu.memory_space<hbm>>
      tpu.enqueue_dma source(%dma_start3A_17 : memref<640x64xf32, #tpu.memory_space<hbm>>) target(%dma_start3A_15 : memref<640x64xf32, #tpu.memory_space<vmem_shared>>) target_semaphore(%run_scoped3A : memref<!tpu.dma_semaphore, #tpu.memory_space<semaphore_mem>>)
      %dma_wait3A = arith.constant 0 : i32
      %dma_wait3A_18 = tpu.memref_slice %arg9[%mul3A_4, %dma_wait3A] : memref<10240x64xf32, #tpu.memory_space<vmem_shared>> -> memref<640x64xf32, #tpu.memory_space<vmem_shared>>
      %dma_wait3A_19 = arith.constant 0 : i32
      %dma_wait3A_20 = tpu.memref_slice %arg5[%mul3A_2, %dma_wait3A_19] : memref<10240x64xf32, #tpu.memory_space<hbm>> -> memref<640x64xf32, #tpu.memory_space<hbm>>
      tpu.wait_dma2 semaphore(%run_scoped3A : memref<!tpu.dma_semaphore, #tpu.memory_space<semaphore_mem>>) src(%dma_wait3A_20 : memref<640x64xf32, #tpu.memory_space<hbm>>) dst(%dma_wait3A_18 : memref<640x64xf32, #tpu.memory_space<vmem_shared>>)
      tpu.yield
    }) : () -> ()
    "tpu.region"() ({
      %run_scoped3A = tpu.sem_alloc : memref<!tpu.dma_semaphore, #tpu.memory_space<semaphore_mem>>
      %dma_start3A = arith.constant 0 : i32
      %dma_start3A_15 = arith.constant 0 : i32
      %dma_start3A_16 = tpu.memref_slice %arg2[%add3A, %dma_start3A, %dma_start3A_15] : memref<32x79x128xi32, #tpu.memory_space<hbm>> -> memref<1x79x128xi32, #tpu.memory_space<hbm>>
      %dma_start3A_17 = tpu.memref_squeeze %dma_start3A_16 : memref<1x79x128xi32, #tpu.memory_space<hbm>> -> memref<79x128xi32, #tpu.memory_space<hbm>>
      %dma_start3A_18 = arith.constant 0 : i32
      %dma_start3A_19 = arith.constant 0 : i32
      %dma_start3A_20 = tpu.memref_slice %arg2[%add3A, %dma_start3A_18, %dma_start3A_19] : memref<32x79x128xi32, #tpu.memory_space<hbm>> -> memref<1x79x128xi32, #tpu.memory_space<hbm>>
      %dma_start3A_21 = tpu.memref_squeeze %dma_start3A_20 : memref<1x79x128xi32, #tpu.memory_space<hbm>> -> memref<79x128xi32, #tpu.memory_space<hbm>>
      tpu.enqueue_dma source(%dma_start3A_21 : memref<79x128xi32, #tpu.memory_space<hbm>>) target(%arg7 : memref<79x128xi32, #tpu.memory_space<vmem>>) target_semaphore(%run_scoped3A : memref<!tpu.dma_semaphore, #tpu.memory_space<semaphore_mem>>)
      %dma_wait3A = arith.constant 0 : i32
      %dma_wait3A_22 = arith.constant 0 : i32
      %dma_wait3A_23 = tpu.memref_slice %arg2[%add3A, %dma_wait3A, %dma_wait3A_22] : memref<32x79x128xi32, #tpu.memory_space<hbm>> -> memref<1x79x128xi32, #tpu.memory_space<hbm>>
      %dma_wait3A_24 = tpu.memref_squeeze %dma_wait3A_23 : memref<1x79x128xi32, #tpu.memory_space<hbm>> -> memref<79x128xi32, #tpu.memory_space<hbm>>
      %dma_wait3A_25 = arith.constant 0 : i32
      %dma_wait3A_26 = arith.constant 0 : i32
      %dma_wait3A_27 = tpu.memref_slice %arg2[%add3A, %dma_wait3A_25, %dma_wait3A_26] : memref<32x79x128xi32, #tpu.memory_space<hbm>> -> memref<1x79x128xi32, #tpu.memory_space<hbm>>
      %dma_wait3A_28 = tpu.memref_squeeze %dma_wait3A_27 : memref<1x79x128xi32, #tpu.memory_space<hbm>> -> memref<79x128xi32, #tpu.memory_space<hbm>>
      tpu.wait_dma2 semaphore(%run_scoped3A : memref<!tpu.dma_semaphore, #tpu.memory_space<semaphore_mem>>) src(%dma_wait3A_28 : memref<79x128xi32, #tpu.memory_space<hbm>>) dst(%arg7 : memref<79x128xi32, #tpu.memory_space<vmem>>)
      tpu.yield
    }) : () -> ()
    "tpu.region"() ({
      %run_scoped3A = tpu.sem_alloc : memref<!tpu.dma_semaphore, #tpu.memory_space<semaphore_mem>>
      %dma_start3A = arith.constant 0 : i32
      %dma_start3A_15 = arith.constant 0 : i32
      %dma_start3A_16 = tpu.memref_slice %arg3[%add3A, %dma_start3A, %dma_start3A_15] : memref<32x79x128xi32, #tpu.memory_space<hbm>> -> memref<1x79x128xi32, #tpu.memory_space<hbm>>
      %dma_start3A_17 = tpu.memref_squeeze %dma_start3A_16 : memref<1x79x128xi32, #tpu.memory_space<hbm>> -> memref<79x128xi32, #tpu.memory_space<hbm>>
      %dma_start3A_18 = arith.constant 0 : i32
      %dma_start3A_19 = arith.constant 0 : i32
      %dma_start3A_20 = tpu.memref_slice %arg3[%add3A, %dma_start3A_18, %dma_start3A_19] : memref<32x79x128xi32, #tpu.memory_space<hbm>> -> memref<1x79x128xi32, #tpu.memory_space<hbm>>
      %dma_start3A_21 = tpu.memref_squeeze %dma_start3A_20 : memref<1x79x128xi32, #tpu.memory_space<hbm>> -> memref<79x128xi32, #tpu.memory_space<hbm>>
      tpu.enqueue_dma source(%dma_start3A_21 : memref<79x128xi32, #tpu.memory_space<hbm>>) target(%arg8 : memref<79x128xi32, #tpu.memory_space<vmem>>) target_semaphore(%run_scoped3A : memref<!tpu.dma_semaphore, #tpu.memory_space<semaphore_mem>>)
      %dma_wait3A = arith.constant 0 : i32
      %dma_wait3A_22 = arith.constant 0 : i32
      %dma_wait3A_23 = tpu.memref_slice %arg3[%add3A, %dma_wait3A, %dma_wait3A_22] : memref<32x79x128xi32, #tpu.memory_space<hbm>> -> memref<1x79x128xi32, #tpu.memory_space<hbm>>
      %dma_wait3A_24 = tpu.memref_squeeze %dma_wait3A_23 : memref<1x79x128xi32, #tpu.memory_space<hbm>> -> memref<79x128xi32, #tpu.memory_space<hbm>>
      %dma_wait3A_25 = arith.constant 0 : i32
      %dma_wait3A_26 = arith.constant 0 : i32
      %dma_wait3A_27 = tpu.memref_slice %arg3[%add3A, %dma_wait3A_25, %dma_wait3A_26] : memref<32x79x128xi32, #tpu.memory_space<hbm>> -> memref<1x79x128xi32, #tpu.memory_space<hbm>>
      %dma_wait3A_28 = tpu.memref_squeeze %dma_wait3A_27 : memref<1x79x128xi32, #tpu.memory_space<hbm>> -> memref<79x128xi32, #tpu.memory_space<hbm>>
      tpu.wait_dma2 semaphore(%run_scoped3A : memref<!tpu.dma_semaphore, #tpu.memory_space<semaphore_mem>>) src(%dma_wait3A_28 : memref<79x128xi32, #tpu.memory_space<hbm>>) dst(%arg8 : memref<79x128xi32, #tpu.memory_space<vmem>>)
      tpu.yield
    }) : () -> ()
    %barrier3A = arith.constant 0 : index
    tpu.barrier barrier_id(%barrier3A)
    %scan3A = arith.constant 0 : i32
    %scan3A_5 = arith.constant 0 : i32
    %scan3A_6 = arith.constant 79 : i32
    %scan3A_7 = arith.addi %scan3A_5, %scan3A_6 : i32
    %scan3A_8 = arith.constant 1 : i32
    scf.for %scan3A_15 = %scan3A_5 to %scan3A_7 step %scan3A_8  : i32 {
      %dma_start3A = arith.constant 0 : i32
      %dma_start3A_16 = tpu.memref_slice %arg7[%scan3A_15, %dma_start3A] : memref<79x128xi32, #tpu.memory_space<vmem>> -> memref<1x128xi32, #tpu.memory_space<vmem>>
      %dma_start3A_17 = tpu.memref_squeeze %dma_start3A_16 : memref<1x128xi32, #tpu.memory_space<vmem>> -> memref<128xi32, #tpu.memory_space<vmem>>
      %dma_start3A_18 = arith.constant 0 : i32
      %dma_start3A_19 = arith.constant 0 : i32
      %dma_start3A_20 = tpu.memref_slice %arg4[%dma_start3A_18, %dma_start3A_19] : memref<10000x64xf32, #tpu.memory_space<hbm>> -> memref<10000x64xf32, #tpu.memory_space<hbm>>
      tpu.enqueue_indirect_dma source(%dma_start3A_20 : memref<10000x64xf32, #tpu.memory_space<hbm>>) target(%arg10 : memref<128x64xf32, #tpu.memory_space<vmem>>) offsets(%dma_start3A_17 : memref<128xi32, #tpu.memory_space<vmem>>) semaphore(%arg11 : memref<!tpu.dma_semaphore, #tpu.memory_space<semaphore_mem>>)
      %dma_wait3A = arith.constant 0 : i32
      %dma_wait3A_21 = tpu.memref_slice %arg7[%scan3A_15, %dma_wait3A] : memref<79x128xi32, #tpu.memory_space<vmem>> -> memref<1x128xi32, #tpu.memory_space<vmem>>
      %dma_wait3A_22 = tpu.memref_squeeze %dma_wait3A_21 : memref<1x128xi32, #tpu.memory_space<vmem>> -> memref<128xi32, #tpu.memory_space<vmem>>
      %dma_wait3A_23 = arith.constant 0 : i32
      %dma_wait3A_24 = arith.constant 0 : i32
      %dma_wait3A_25 = tpu.memref_slice %arg4[%dma_wait3A_23, %dma_wait3A_24] : memref<10000x64xf32, #tpu.memory_space<hbm>> -> memref<10000x64xf32, #tpu.memory_space<hbm>>
      tpu.wait_indirect_dma semaphore(%arg11 : memref<!tpu.dma_semaphore, #tpu.memory_space<semaphore_mem>>) src(%dma_wait3A_25 : memref<10000x64xf32, #tpu.memory_space<hbm>>) dst(%arg10 : memref<128x64xf32, #tpu.memory_space<vmem>>)
      "tpu.region"() ({
        %run_scoped3A = tpu.sem_alloc : memref<!tpu.dma_semaphore, #tpu.memory_space<semaphore_mem>>
        %dma_start3A_26 = arith.constant 0 : i32
        %dma_start3A_27 = tpu.memref_slice %arg8[%scan3A_15, %dma_start3A_26] : memref<79x128xi32, #tpu.memory_space<vmem>> -> memref<1x128xi32, #tpu.memory_space<vmem>>
        %dma_start3A_28 = tpu.memref_squeeze %dma_start3A_27 : memref<1x128xi32, #tpu.memory_space<vmem>> -> memref<128xi32, #tpu.memory_space<vmem>>
        %dma_start3A_29 = arith.constant 0 : i32
        %dma_start3A_30 = arith.constant 0 : i32
        %dma_start3A_31 = tpu.memref_slice %arg9[%dma_start3A_29, %dma_start3A_30] : memref<10240x64xf32, #tpu.memory_space<vmem_shared>> -> memref<10240x64xf32, #tpu.memory_space<vmem_shared>>
        tpu.enqueue_indirect_dma source(%arg10 : memref<128x64xf32, #tpu.memory_space<vmem>>) target(%dma_start3A_31 : memref<10240x64xf32, #tpu.memory_space<vmem_shared>>) offsets(%dma_start3A_28 : memref<128xi32, #tpu.memory_space<vmem>>) semaphore(%run_scoped3A : memref<!tpu.dma_semaphore, #tpu.memory_space<semaphore_mem>>) {add = true}
        %dma_wait3A_32 = arith.constant 0 : i32
        %dma_wait3A_33 = tpu.memref_slice %arg8[%scan3A_15, %dma_wait3A_32] : memref<79x128xi32, #tpu.memory_space<vmem>> -> memref<1x128xi32, #tpu.memory_space<vmem>>
        %dma_wait3A_34 = tpu.memref_squeeze %dma_wait3A_33 : memref<1x128xi32, #tpu.memory_space<vmem>> -> memref<128xi32, #tpu.memory_space<vmem>>
        %dma_wait3A_35 = arith.constant 0 : i32
        %dma_wait3A_36 = arith.constant 0 : i32
        %dma_wait3A_37 = tpu.memref_slice %arg9[%dma_wait3A_35, %dma_wait3A_36] : memref<10240x64xf32, #tpu.memory_space<vmem_shared>> -> memref<10240x64xf32, #tpu.memory_space<vmem_shared>>
        tpu.wait_indirect_dma semaphore(%run_scoped3A : memref<!tpu.dma_semaphore, #tpu.memory_space<semaphore_mem>>) src(%arg10 : memref<128x64xf32, #tpu.memory_space<vmem>>) dst(%dma_wait3A_37 : memref<10240x64xf32, #tpu.memory_space<vmem_shared>>)
        tpu.yield
      }) : () -> ()
    }
    %scan3A_9 = arith.constant 79 : i32
    %barrier3A_10 = arith.constant 0 : index
    tpu.barrier barrier_id(%barrier3A_10)
    %mul3A_11 = arith.constant 640 : i32
    %mul3A_12 = arith.muli %arg1, %mul3A_11 : i32
    %mul3A_13 = arith.constant 640 : i32
    %mul3A_14 = arith.muli %arg1, %mul3A_13 : i32
    "tpu.region"() ({
      %run_scoped3A = tpu.sem_alloc : memref<!tpu.dma_semaphore, #tpu.memory_space<semaphore_mem>>
      %dma_start3A = arith.constant 0 : i32
      %dma_start3A_15 = tpu.memref_slice %arg6[%arg0, %mul3A_14, %dma_start3A] : memref<2x10240x64xf32, #tpu.memory_space<hbm>> -> memref<1x640x64xf32, #tpu.memory_space<hbm>>
      %dma_start3A_16 = tpu.memref_squeeze %dma_start3A_15 : memref<1x640x64xf32, #tpu.memory_space<hbm>> -> memref<640x64xf32, #tpu.memory_space<hbm>>
      %dma_start3A_17 = arith.constant 0 : i32
      %dma_start3A_18 = tpu.memref_slice %arg9[%mul3A_12, %dma_start3A_17] : memref<10240x64xf32, #tpu.memory_space<vmem_shared>> -> memref<640x64xf32, #tpu.memory_space<vmem_shared>>
      tpu.enqueue_dma source(%dma_start3A_18 : memref<640x64xf32, #tpu.memory_space<vmem_shared>>) target(%dma_start3A_16 : memref<640x64xf32, #tpu.memory_space<hbm>>) target_semaphore(%run_scoped3A : memref<!tpu.dma_semaphore, #tpu.memory_space<semaphore_mem>>)
      %dma_wait3A = arith.constant 0 : i32
      %dma_wait3A_19 = tpu.memref_slice %arg6[%arg0, %mul3A_14, %dma_wait3A] : memref<2x10240x64xf32, #tpu.memory_space<hbm>> -> memref<1x640x64xf32, #tpu.memory_space<hbm>>
      %dma_wait3A_20 = tpu.memref_squeeze %dma_wait3A_19 : memref<1x640x64xf32, #tpu.memory_space<hbm>> -> memref<640x64xf32, #tpu.memory_space<hbm>>
      %dma_wait3A_21 = arith.constant 0 : i32
      %dma_wait3A_22 = tpu.memref_slice %arg9[%mul3A_12, %dma_wait3A_21] : memref<10240x64xf32, #tpu.memory_space<vmem_shared>> -> memref<640x64xf32, #tpu.memory_space<vmem_shared>>
      tpu.wait_dma2 semaphore(%run_scoped3A : memref<!tpu.dma_semaphore, #tpu.memory_space<semaphore_mem>>) src(%dma_wait3A_22 : memref<640x64xf32, #tpu.memory_space<vmem_shared>>) dst(%dma_wait3A_20 : memref<640x64xf32, #tpu.memory_space<hbm>>)
      tpu.yield
    }) : () -> ()
    return
  }
}

module attributes {stable_mosaic.version = 14 : i64} {
  func.func @body(%arg0: i32, %arg1: memref<1000x128xf32, #tpu.memory_space<vmem>>, %arg2: memref<128x64xf32, #tpu.memory_space<vmem>>, %arg3: memref<1000x64xf32, #tpu.memory_space<vmem>>) attributes {dimension_semantics = [#tpu.dimension_semantics<arbitrary>], iteration_bounds = array<i64: 10>, scalar_prefetch = 0 : i64, scratch_operands = 0 : i64, tpu.core_type = #tpu.core_type<tc>, window_params = [{transform_indices = @transform_0, window_bounds = array<i64: 1000, 128>}, {pipeline_mode = #tpu.pipeline_mode<synchronous>, transform_indices = @transform_1, window_bounds = array<i64: 128, 64>}, {transform_indices = @transform_2, window_bounds = array<i64: 1000, 64>}]} {
    %get3A = arith.constant 0 : index
    %get3A_0 = arith.constant 0 : index
    %get3A_1 = vector.load %arg1[%get3A, %get3A_0] : memref<1000x128xf32, #tpu.memory_space<vmem>>, vector<1000x128xf32>
    %get3A_2 = arith.constant 0 : index
    %get3A_3 = arith.constant 0 : index
    %get3A_4 = vector.load %arg2[%get3A_2, %get3A_3] : memref<128x64xf32, #tpu.memory_space<vmem>>, vector<128x64xf32>
    %dot_general3A = arith.constant dense<0.000000e+00> : vector<1000x64xf32>
    %dot_general3A_5 = tpu.matmul %get3A_1, %get3A_4, %dot_general3A {dimension_numbers = #tpu.dot_dimension_numbers<[1], [0], [0], [1], [0, 0, 1, 1], [], []>, transpose_lhs_hint = false} : vector<1000x128xf32>, vector<128x64xf32>, vector<1000x64xf32> -> vector<1000x64xf32>
    %swap3A = arith.constant 0 : index
    %swap3A_6 = arith.constant 0 : index
    %swap3A_7 = vector.load %arg3[%swap3A, %swap3A_6] : memref<1000x64xf32, #tpu.memory_space<vmem>>, vector<1000x64xf32>
    tpu.vector_store %arg3[%swap3A, %swap3A_6], %dot_general3A_5 {strides = array<i32>} : memref<1000x64xf32, #tpu.memory_space<vmem>>, vector<1000x64xf32>,
    return
  }
  func.func @transform_0(%arg0: i32) -> (i32, i32) {
    %c0_i32 = arith.constant 0 : i32
    %c0_i32_0 = arith.constant 0 : i32
    return %arg0, %c0_i32 : i32, i32
  }
  func.func @transform_1(%arg0: i32) -> (i32, i32) {
    %c0_i32 = arith.constant 0 : i32
    %c0_i32_0 = arith.constant 0 : i32
    %c0_i32_1 = arith.constant 0 : i32
    return %c0_i32, %c0_i32_0 : i32, i32
  }
  func.func @transform_2(%arg0: i32) -> (i32, i32) {
    %c0_i32 = arith.constant 0 : i32
    %c0_i32_0 = arith.constant 0 : i32
    return %arg0, %c0_i32 : i32, i32
  }
}

module attributes {stable_mosaic.version = 14 : i64} {
  func.func @body(%arg0: i32, %arg1: memref<1000x1xf32, #tpu.memory_space<vmem>>, %arg2: memref<1000x1xf32, #tpu.memory_space<vmem>>, %arg3: memref<1000x64xf32, #tpu.memory_space<vmem>>, %arg4: memref<1000x1xf32, #tpu.memory_space<vmem>>, %arg5: memref<1000x64xf32, #tpu.memory_space<vmem>>) attributes {dimension_semantics = [#tpu.dimension_semantics<arbitrary>], iteration_bounds = array<i64: 10>, scalar_prefetch = 0 : i64, scratch_operands = 0 : i64, tpu.core_type = #tpu.core_type<tc>, window_params = [{transform_indices = @transform_0, window_bounds = array<i64: 1000, 1>}, {transform_indices = @transform_1, window_bounds = array<i64: 1000, 1>}, {transform_indices = @transform_2, window_bounds = array<i64: 1000, 64>}, {transform_indices = @transform_3, window_bounds = array<i64: 1000, 1>}, {transform_indices = @transform_4, window_bounds = array<i64: 1000, 64>}]} {
    %get3A = arith.constant 0 : index
    %get3A_0 = arith.constant 0 : index
    %get3A_1 = vector.load %arg1[%get3A, %get3A_0] : memref<1000x1xf32, #tpu.memory_space<vmem>>, vector<1000x1xf32>
    %get3A_2 = arith.constant 0 : index
    %get3A_3 = arith.constant 0 : index
    %get3A_4 = vector.load %arg2[%get3A_2, %get3A_3] : memref<1000x1xf32, #tpu.memory_space<vmem>>, vector<1000x1xf32>
    %add3A = arith.addf %get3A_1, %get3A_4 : vector<1000x1xf32>
    %add3A_5 = arith.constant 1.000000e+00 : f32
    %add3A_6 = vector.broadcast %add3A_5 : f32 to vector<1000x1xf32>
    %add3A_7 = arith.addf %add3A, %add3A_6 : vector<1000x1xf32>
    %rsqrt3A = math.rsqrt %add3A_7 : vector<1000x1xf32>
    %swap3A = arith.constant 0 : index
    %swap3A_8 = arith.constant 0 : index
    %swap3A_9 = vector.load %arg4[%swap3A, %swap3A_8] : memref<1000x1xf32, #tpu.memory_space<vmem>>, vector<1000x1xf32>
    tpu.vector_store %arg4[%swap3A, %swap3A_8], %rsqrt3A {strides = array<i32>} : memref<1000x1xf32, #tpu.memory_space<vmem>>, vector<1000x1xf32>,
    %get3A_10 = arith.constant 0 : index
    %get3A_11 = arith.constant 0 : index
    %get3A_12 = vector.load %arg3[%get3A_10, %get3A_11] : memref<1000x64xf32, #tpu.memory_space<vmem>>, vector<1000x64xf32>
    %mul3A = vector.broadcast %rsqrt3A : vector<1000x1xf32> to vector<1000x64xf32>
    %mul3A_13 = arith.mulf %get3A_12, %mul3A : vector<1000x64xf32>
    %swap3A_14 = arith.constant 0 : index
    %swap3A_15 = arith.constant 0 : index
    %swap3A_16 = vector.load %arg5[%swap3A_14, %swap3A_15] : memref<1000x64xf32, #tpu.memory_space<vmem>>, vector<1000x64xf32>
    tpu.vector_store %arg5[%swap3A_14, %swap3A_15], %mul3A_13 {strides = array<i32>} : memref<1000x64xf32, #tpu.memory_space<vmem>>, vector<1000x64xf32>,
    return
  }
  func.func @transform_0(%arg0: i32) -> (i32, i32) {
    %c0_i32 = arith.constant 0 : i32
    %c0_i32_0 = arith.constant 0 : i32
    return %arg0, %c0_i32 : i32, i32
  }
  func.func @transform_1(%arg0: i32) -> (i32, i32) {
    %c0_i32 = arith.constant 0 : i32
    %c0_i32_0 = arith.constant 0 : i32
    return %arg0, %c0_i32 : i32, i32
  }
  func.func @transform_2(%arg0: i32) -> (i32, i32) {
    %c0_i32 = arith.constant 0 : i32
    %c0_i32_0 = arith.constant 0 : i32
    return %arg0, %c0_i32 : i32, i32
  }
  func.func @transform_3(%arg0: i32) -> (i32, i32) {
    %c0_i32 = arith.constant 0 : i32
    %c0_i32_0 = arith.constant 0 : i32
    return %arg0, %c0_i32 : i32, i32
  }
  func.func @transform_4(%arg0: i32) -> (i32, i32) {
    %c0_i32 = arith.constant 0 : i32
    %c0_i32_0 = arith.constant 0 : i32
    return %arg0, %c0_i32 : i32, i32
  }
}

module attributes {stable_mosaic.version = 14 : i64} {
  func.func @body(%arg0: i32, %arg1: memref<1000x64xf32, #tpu.memory_space<vmem>>, %arg2: memref<1000x64xf32, #tpu.memory_space<vmem>>, %arg3: memref<1000x64xf32, #tpu.memory_space<vmem>>, %arg4: memref<1000x1xf32, #tpu.memory_space<vmem>>, %arg5: memref<1x64xf32, #tpu.memory_space<vmem>>, %arg6: memref<64x4xf32, #tpu.memory_space<vmem>>, %arg7: memref<1000x4xf32, #tpu.memory_space<vmem>>) attributes {dimension_semantics = [#tpu.dimension_semantics<arbitrary>], iteration_bounds = array<i64: 10>, scalar_prefetch = 0 : i64, scratch_operands = 0 : i64, tpu.core_type = #tpu.core_type<tc>, window_params = [{transform_indices = @transform_0, window_bounds = array<i64: 1000, 64>}, {transform_indices = @transform_1, window_bounds = array<i64: 1000, 64>}, {transform_indices = @transform_2, window_bounds = array<i64: 1000, 64>}, {transform_indices = @transform_3, window_bounds = array<i64: 1000, 1>}, {pipeline_mode = #tpu.pipeline_mode<synchronous>, transform_indices = @transform_4, window_bounds = array<i64: 1, 64>}, {pipeline_mode = #tpu.pipeline_mode<synchronous>, transform_indices = @transform_5, window_bounds = array<i64: 64, 4>}, {transform_indices = @transform_6, window_bounds = array<i64: 1000, 4>}]} {
    %get3A = arith.constant 0 : index
    %get3A_0 = arith.constant 0 : index
    %get3A_1 = vector.load %arg4[%get3A, %get3A_0] : memref<1000x1xf32, #tpu.memory_space<vmem>>, vector<1000x1xf32>
    %get3A_2 = arith.constant 0 : index
    %get3A_3 = arith.constant 0 : index
    %get3A_4 = vector.load %arg1[%get3A_2, %get3A_3] : memref<1000x64xf32, #tpu.memory_space<vmem>>, vector<1000x64xf32>
    %get3A_5 = arith.constant 0 : index
    %get3A_6 = arith.constant 0 : index
    %get3A_7 = vector.load %arg2[%get3A_5, %get3A_6] : memref<1000x64xf32, #tpu.memory_space<vmem>>, vector<1000x64xf32>
    %add3A = arith.addf %get3A_4, %get3A_7 : vector<1000x64xf32>
    %get3A_8 = arith.constant 0 : index
    %get3A_9 = arith.constant 0 : index
    %get3A_10 = vector.load %arg3[%get3A_8, %get3A_9] : memref<1000x64xf32, #tpu.memory_space<vmem>>, vector<1000x64xf32>
    %add3A_11 = arith.addf %add3A, %get3A_10 : vector<1000x64xf32>
    %mul3A = vector.broadcast %get3A_1 : vector<1000x1xf32> to vector<1000x64xf32>
    %mul3A_12 = arith.mulf %mul3A, %add3A_11 : vector<1000x64xf32>
    %get3A_13 = arith.constant 0 : index
    %get3A_14 = arith.constant 0 : index
    %get3A_15 = vector.load %arg5[%get3A_13, %get3A_14] : memref<1x64xf32, #tpu.memory_space<vmem>>, vector<1x64xf32>
    %add3A_16 = vector.broadcast %get3A_15 : vector<1x64xf32> to vector<1000x64xf32>
    %add3A_17 = arith.addf %mul3A_12, %add3A_16 : vector<1000x64xf32>
    %gt3A = arith.constant 0.000000e+00 : f32
    %gt3A_18 = vector.broadcast %gt3A : f32 to vector<1000x64xf32>
    %gt3A_19 = arith.cmpf ogt, %add3A_17, %gt3A_18 : vector<1000x64xf32>
    %exp3A = math.exp %add3A_17 : vector<1000x64xf32>
    %sub3A = arith.constant 1.000000e+00 : f32
    %sub3A_20 = vector.broadcast %sub3A : f32 to vector<1000x64xf32>
    %sub3A_21 = arith.subf %exp3A, %sub3A_20 : vector<1000x64xf32>
    %select_n3A = arith.select %gt3A_19, %add3A_17, %sub3A_21 : vector<1000x64xi1>, vector<1000x64xf32>
    %get3A_22 = arith.constant 0 : index
    %get3A_23 = arith.constant 0 : index
    %get3A_24 = vector.load %arg6[%get3A_22, %get3A_23] : memref<64x4xf32, #tpu.memory_space<vmem>>, vector<64x4xf32>
    %dot_general3A = arith.constant dense<0.000000e+00> : vector<1000x4xf32>
    %dot_general3A_25 = tpu.matmul %select_n3A, %get3A_24, %dot_general3A {dimension_numbers = #tpu.dot_dimension_numbers<[1], [0], [0], [1], [0, 0, 1, 1], [], []>, transpose_lhs_hint = false} : vector<1000x64xf32>, vector<64x4xf32>, vector<1000x4xf32> -> vector<1000x4xf32>
    %get3A_26 = arith.constant 0 : index
    %get3A_27 = arith.constant 0 : index
    %get3A_28 = vector.load %arg4[%get3A_26, %get3A_27] : memref<1000x1xf32, #tpu.memory_space<vmem>>, vector<1000x1xf32>
    %mul3A_29 = vector.broadcast %get3A_28 : vector<1000x1xf32> to vector<1000x4xf32>
    %mul3A_30 = arith.mulf %mul3A_29, %dot_general3A_25 : vector<1000x4xf32>
    %swap3A = arith.constant 0 : index
    %swap3A_31 = arith.constant 0 : index
    %swap3A_32 = vector.load %arg7[%swap3A, %swap3A_31] : memref<1000x4xf32, #tpu.memory_space<vmem>>, vector<1000x4xf32>
    tpu.vector_store %arg7[%swap3A, %swap3A_31], %mul3A_30 {strides = array<i32>} : memref<1000x4xf32, #tpu.memory_space<vmem>>, vector<1000x4xf32>,
    return
  }
  func.func @transform_0(%arg0: i32) -> (i32, i32) {
    %c0_i32 = arith.constant 0 : i32
    %c0_i32_0 = arith.constant 0 : i32
    return %arg0, %c0_i32 : i32, i32
  }
  func.func @transform_1(%arg0: i32) -> (i32, i32) {
    %c0_i32 = arith.constant 0 : i32
    %c0_i32_0 = arith.constant 0 : i32
    return %arg0, %c0_i32 : i32, i32
  }
  func.func @transform_2(%arg0: i32) -> (i32, i32) {
    %c0_i32 = arith.constant 0 : i32
    %c0_i32_0 = arith.constant 0 : i32
    return %arg0, %c0_i32 : i32, i32
  }
  func.func @transform_3(%arg0: i32) -> (i32, i32) {
    %c0_i32 = arith.constant 0 : i32
    %c0_i32_0 = arith.constant 0 : i32
    return %arg0, %c0_i32 : i32, i32
  }
  func.func @transform_4(%arg0: i32) -> (i32, i32) {
    %c0_i32 = arith.constant 0 : i32
    %c0_i32_0 = arith.constant 0 : i32
    %c0_i32_1 = arith.constant 0 : i32
    return %c0_i32, %c0_i32_0 : i32, i32
  }
  func.func @transform_5(%arg0: i32) -> (i32, i32) {
    %c0_i32 = arith.constant 0 : i32
    %c0_i32_0 = arith.constant 0 : i32
    %c0_i32_1 = arith.constant 0 : i32
    return %c0_i32, %c0_i32_0 : i32, i32
  }
  func.func @transform_6(%arg0: i32) -> (i32, i32) {
    %c0_i32 = arith.constant 0 : i32
    %c0_i32_0 = arith.constant 0 : i32
    return %arg0, %c0_i32 : i32, i32
  }
}

module attributes {stable_mosaic.version = 14 : i64} {
  func.func @body(%arg0: memref<10000x4xf32, #tpu.memory_space<vmem>>, %arg1: memref<10000x4xf32, #tpu.memory_space<vmem>>, %arg2: memref<10000x4xf32, #tpu.memory_space<vmem>>, %arg3: memref<10000x1xf32, #tpu.memory_space<vmem>>, %arg4: memref<1x4xf32, #tpu.memory_space<vmem>>, %arg5: memref<10000x1xi32, #tpu.memory_space<vmem>>, %arg6: memref<4x1xf32, #tpu.memory_space<vmem>>, %arg7: memref<1x1xf32, #tpu.memory_space<vmem>>, %arg8: memref<64x1xf32, #tpu.memory_space<vmem>>) attributes {dimension_semantics = [], scalar_prefetch = 0 : i64, scratch_operands = 0 : i64, tpu.core_type = #tpu.core_type<tc>} {
    %get3A = arith.constant 0 : index
    %get3A_0 = arith.constant 0 : index
    %get3A_1 = vector.load %arg3[%get3A, %get3A_0] : memref<10000x1xf32, #tpu.memory_space<vmem>>, vector<10000x1xf32>
    %get3A_2 = arith.constant 0 : index
    %get3A_3 = arith.constant 0 : index
    %get3A_4 = vector.load %arg0[%get3A_2, %get3A_3] : memref<10000x4xf32, #tpu.memory_space<vmem>>, vector<10000x4xf32>
    %get3A_5 = arith.constant 0 : index
    %get3A_6 = arith.constant 0 : index
    %get3A_7 = vector.load %arg1[%get3A_5, %get3A_6] : memref<10000x4xf32, #tpu.memory_space<vmem>>, vector<10000x4xf32>
    %add3A = arith.addf %get3A_4, %get3A_7 : vector<10000x4xf32>
    %get3A_8 = arith.constant 0 : index
    %get3A_9 = arith.constant 0 : index
    %get3A_10 = vector.load %arg2[%get3A_8, %get3A_9] : memref<10000x4xf32, #tpu.memory_space<vmem>>, vector<10000x4xf32>
    %add3A_11 = arith.addf %add3A, %get3A_10 : vector<10000x4xf32>
    %mul3A = vector.broadcast %get3A_1 : vector<10000x1xf32> to vector<10000x4xf32>
    %mul3A_12 = arith.mulf %mul3A, %add3A_11 : vector<10000x4xf32>
    %get3A_13 = arith.constant 0 : index
    %get3A_14 = arith.constant 0 : index
    %get3A_15 = vector.load %arg4[%get3A_13, %get3A_14] : memref<1x4xf32, #tpu.memory_space<vmem>>, vector<1x4xf32>
    %add3A_16 = vector.broadcast %get3A_15 : vector<1x4xf32> to vector<10000x4xf32>
    %add3A_17 = arith.addf %mul3A_12, %add3A_16 : vector<10000x4xf32>
    %gt3A = arith.constant 0.000000e+00 : f32
    %gt3A_18 = vector.broadcast %gt3A : f32 to vector<10000x4xf32>
    %gt3A_19 = arith.cmpf ogt, %add3A_17, %gt3A_18 : vector<10000x4xf32>
    %exp3A = math.exp %add3A_17 : vector<10000x4xf32>
    %sub3A = arith.constant 1.000000e+00 : f32
    %sub3A_20 = vector.broadcast %sub3A : f32 to vector<10000x4xf32>
    %sub3A_21 = arith.subf %exp3A, %sub3A_20 : vector<10000x4xf32>
    %select_n3A = arith.select %gt3A_19, %add3A_17, %sub3A_21 : vector<10000x4xi1>, vector<10000x4xf32>
    %iota3A = tpu.iota {dimensions = array<i32: 1>} : vector<10000x64xi32>
    %get3A_22 = arith.constant 0 : index
    %get3A_23 = arith.constant 0 : index
    %get3A_24 = vector.load %arg5[%get3A_22, %get3A_23] : memref<10000x1xi32, #tpu.memory_space<vmem>>, vector<10000x1xi32>
    %eq3A = vector.broadcast %get3A_24 : vector<10000x1xi32> to vector<10000x64xi32>
    %eq3A_25 = arith.cmpi eq, %eq3A, %iota3A : vector<10000x64xi32>
    %convert_element_type3A = arith.extui %eq3A_25 : vector<10000x64xi1> to vector<10000x64xi32>
    %convert_element_type3A_26 = arith.sitofp %convert_element_type3A : vector<10000x64xi32> to vector<10000x64xf32>
    %broadcast_in_dim3A = arith.constant 1.000000e+00 : f32
    %broadcast_in_dim3A_27 = vector.broadcast %broadcast_in_dim3A : f32 to vector<10000x1xf32>
    %concatenate3A = tpu.concatenate %select_n3A, %broadcast_in_dim3A_27 in 1 : vector<10000x4xf32>, vector<10000x1xf32> -> vector<10000x5xf32>
    %dot_general3A = arith.constant dense<0.000000e+00> : vector<64x5xf32>
    %dot_general3A_28 = tpu.matmul %convert_element_type3A_26, %concatenate3A, %dot_general3A {dimension_numbers = #tpu.dot_dimension_numbers<[0], [0], [1], [1], [0, 1, 1, 1], [], []>, transpose_lhs_hint = false} : vector<10000x64xf32>, vector<10000x5xf32>, vector<64x5xf32> -> vector<64x5xf32>
    %slice3A = vector.extract_strided_slice %dot_general3A_28 {offsets = [0, 0], sizes = [64, 4], strides = [1, 1]} : vector<64x5xf32> to vector<64x4xf32>
    %slice3A_29 = vector.extract_strided_slice %dot_general3A_28 {offsets = [0, 4], sizes = [64, 1], strides = [1, 1]} : vector<64x5xf32> to vector<64x1xf32>
    %max3A = arith.constant 1.000000e+00 : f32
    %max3A_30 = vector.broadcast %max3A : f32 to vector<64x1xf32>
    %max3A_31 = arith.maximumf %slice3A_29, %max3A_30 : vector<64x1xf32>
    %div3A = vector.broadcast %max3A_31 : vector<64x1xf32> to vector<64x4xf32>
    %div3A_32 = arith.divf %slice3A, %div3A : vector<64x4xf32>
    %get3A_33 = arith.constant 0 : index
    %get3A_34 = arith.constant 0 : index
    %get3A_35 = vector.load %arg6[%get3A_33, %get3A_34] : memref<4x1xf32, #tpu.memory_space<vmem>>, vector<4x1xf32>
    %dot_general3A_36 = arith.constant dense<0.000000e+00> : vector<64x1xf32>
    %dot_general3A_37 = tpu.matmul %div3A_32, %get3A_35, %dot_general3A_36 {dimension_numbers = #tpu.dot_dimension_numbers<[1], [0], [0], [1], [0, 0, 1, 1], [], []>, transpose_lhs_hint = false} : vector<64x4xf32>, vector<4x1xf32>, vector<64x1xf32> -> vector<64x1xf32>
    %get3A_38 = arith.constant 0 : index
    %get3A_39 = arith.constant 0 : index
    %get3A_40 = vector.load %arg7[%get3A_38, %get3A_39] : memref<1x1xf32, #tpu.memory_space<vmem>>, vector<1x1xf32>
    %add3A_41 = vector.broadcast %get3A_40 : vector<1x1xf32> to vector<64x1xf32>
    %add3A_42 = arith.addf %dot_general3A_37, %add3A_41 : vector<64x1xf32>
    %swap3A = arith.constant 0 : index
    %swap3A_43 = arith.constant 0 : index
    %swap3A_44 = vector.load %arg8[%swap3A, %swap3A_43] : memref<64x1xf32, #tpu.memory_space<vmem>>, vector<64x1xf32>
    tpu.vector_store %arg8[%swap3A, %swap3A_43], %add3A_42 {strides = array<i32>} : memref<64x1xf32, #tpu.memory_space<vmem>>, vector<64x1xf32>,
    return
  }
}

</mosaic_0001>

<sc_bundles>
// kernel: kernel.12.cloned.1.call-start
scs
__scs_entry_jumppad:
0x0: {  	(pc) =	sbr.rel $0x88, $3  }
0x1: {  	(tag) =	ssettag $0x0;
	lr =	simm.s32 $0x1  }
0x2: {  	[smem:$0x3F98] =	sst lr;
	_ =	strace $0xD0000000  }
0x3: {  	_ = 	snop  }
0x4: {  	_ = 	snop  }
0x5: {  	_ = 	snop  }
0x6: {  	_ = 	snop  }
0x7: {  	_ = 	snop  }
__scs_overlays_trampoline_lowered:
0x8: {  	[smem:$0x3FA7] =	sst s0  }
0x9: {  	[smem:$0x3FA8] =	sst s1  }
0xa: {  	[smem:$0x3FA9] =	sst s2  }
0xb: {  	[smem:$0x3FAA] =	sst s3  }
0xc: {  	[smem:$0x3FAB] =	sst s4  }
0xd: {  	[smem:$0x3FAC] =	sst s5  }
0xe: {  	[smem:$0x3FAD] =	sst s6  }
0xf: {  	[smem:$0x3FAE] =	sst s7  }
0x10: {  	[smem:$0x3FAF] =	sst s8  }
0x11: {  	[smem:$0x3FB0] =	sst s9;
	s0 =	simm.s32 @!p0 $0x0  }
0x12: {  	s1 =	sld [smem:$0x3F96];
	s0 =	simm.s32 @p0 $0x1  }
0x13: {  	[smem:$0x3FB1] =	sst s0;
	s0 =	simm.s32 @!p1 $0x0  }
0x14: {  	s2 =	sld [smem:$0x3F95];
	s0 =	simm.s32 @p1 $0x1  }
0x15: {  	[smem:$0x3FB2] =	sst s0;
	s0 =	simm.s32 @!p2 $0x0  }
0x16: {  	s3 =	sld [smem:$0x3FDB];
	s0 =	simm.s32 @p2 $0x1  }
0x17: {  	s4 =	simm.s32 $0x1BF5;
	[smem:$0x3FB4] =	sst s0  }
0x18: {  	s0 =	sld [smem:$0x3F97];
	_ =	swait.ge [sflag:s4], $0x0  }
0x19: {  	s7 =	sld [smem:$0x3F98]  }
0x1a: {  	s8 =	sadd.s32 $0xFFFFE003, lr  }
0x1b: {  	s9 =	sadd.s32 $0xFFFFFEF7, lr;
	s5 =	simm.s32 $0xFFFFFFFF;
	p2 =	slt.u32 s8, $0xFFFFF086  }
0x1c: {  	p1 =	slt.u32 s9, $0xF7A;
	s5 =	simm.s32 @!p2 $0x0  }
0x1d: {  	s5 =	simm.s32 @p1 $0x1;
	p0 =	seq.s32 s7, s2  }
0x1e: {  	s7 =	smul.u32 @!p0 $0xF7A, s2;
	p2 =	seq.s32 @!p0 s5, $0x0  }
0x1f: {  	s9 =	smul.u32 $0xF7A, s1;
	s8 =	simm.s32 @!p0 $0x1BF5;
	p2 =	por !p2, p0  }
0x20: {  	[sflag:s8] =	ssyncset.s32 @!p0 $0xFFFFF086;
	s6 =	sadd.s32 @!p0 s3, s7;
	s7 =	simm.s32 @!p0 $0x108  }
0x21: {  	s3 =	sadd.s32 s3, s9;
	s6 =	sadd.s32 @!p0 $0x88, s6;
	s7 =	simm.s32 @p2 $0x1082  }
0x22: {  	[simem:s7], [sflag:s8] =	dma.local @!p0 [hbm:s6], $0xF7A  }
0x23: {  	s9 =	sor.u32 $0xD0000000, s2;
	s6 =	simm.s32 $0x108;
	_ =	swait.ge @!p0 [sflag:s8], $0x0  }
0x24: {  	s3 =	sadd.s32 $0x88, s3;
	s6 =	simm.s32 @!p1 $0x1082;
	[sflag:s4] =	ssyncset.s32 $0xFFFFF086  }
0x25: {  	[simem:s6], [sflag:s4] =	dma.local [hbm:s3], $0xF7A  }
0x26: {  	[smem:$0x3F98] =	sst s1;
	(tag) =	ssettag s2;
	_ =	strace s9  }
0x27: {  	s1 =	sld [smem:$0x3FA8]  }
0x28: {  	s2 =	sld [smem:$0x3FA9]  }
0x29: {  	s4 =	sld [smem:$0x3FAB]  }
0x2a: {  	p0 =	seq.s32 s5, $0x0;
	s5 =	sld [smem:$0x3FAC]  }
0x2b: {  	s6 =	sld [smem:$0x3FAD]  }
0x2c: {  	s7 =	sld [smem:$0x3FAE]  }
0x2d: {  	s3 =	simm.s32 $0x108;
	s8 =	sld [smem:$0x3FAF]  }
0x2e: {  	s3 =	simm.s32 @!p0 $0x1082;
	s9 =	sld [smem:$0x3FB0]  }
0x2f: {  	lr =	sadd.s32 s0, s3;
	s0 =	sld [smem:$0x3FA7]  }
0x30: {  	s3 =	sld [smem:$0x3FAA]  }
0x31: {  	[smem:$0x3FB3] =	sst s10  }
0x32: {  	s10 =	sld [smem:$0x3FB1];
	_ =	sdelay $0x3  }
0x33: {  	p0 =	seq.s32 s10, $0x1;
	s10 =	sld [smem:$0x3FB3];
	_ =	sdelay $0x3  }
0x34: {  	[smem:$0x3FB3] =	sst s10  }
0x35: {  	s10 =	sld [smem:$0x3FB2];
	_ =	sdelay $0x3  }
0x36: {  	p1 =	seq.s32 s10, $0x1;
	s10 =	sld [smem:$0x3FB3];
	_ =	sdelay $0x3  }
0x37: {  	[smem:$0x3FB3] =	sst s10  }
0x38: {  	s10 =	sld [smem:$0x3FB4]  }
0x39: {  	_ = 	snop;
	(pc) =	sbr.ind lr, $3  }
0x3a: {  	_ = 	snop  }
0x3b: {  	_ = 	snop  }
0x3c: {  	p2 =	seq.s32 s10, $0x1;
	s10 =	sld [smem:$0x3FB3]  }
0x3d: {  	_ =	shalt  }
0x3e: {  	_ =	shalt  }
0x3f: {  	_ =	shalt  }
0x40: {  	_ =	shalt  }
0x41: {  	_ =	shalt  }
0x42: {  	_ =	shalt  }
0x43: {  	_ =	shalt  }
0x44: {  	_ =	shalt  }
0x45: {  	_ =	shalt  }
0x46: {  	_ =	shalt  }
0x47: {  	_ =	shalt  }
0x48: {  	_ =	shalt  }
0x49: {  	_ =	shalt  }
0x4a: {  	_ =	shalt  }
0x4b: {  	_ =	shalt  }
0x4c: {  	_ =	shalt  }
0x4d: {  	_ =	shalt  }
0x4e: {  	_ =	shalt  }
0x4f: {  	_ =	shalt  }
0x50: {  	_ =	shalt  }
0x51: {  	_ =	shalt  }
0x52: {  	_ =	shalt  }
0x53: {  	_ =	shalt  }
0x54: {  	_ =	shalt  }
0x55: {  	_ =	shalt  }
0x56: {  	_ =	shalt  }
0x57: {  	_ =	shalt  }
0x58: {  	_ =	shalt  }
0x59: {  	_ =	shalt  }
0x5a: {  	_ =	shalt  }
0x5b: {  	_ =	shalt  }
0x5c: {  	_ =	shalt  }
0x5d: {  	_ =	shalt  }
0x5e: {  	_ =	shalt  }
0x5f: {  	_ =	shalt  }
0x60: {  	_ =	shalt  }
0x61: {  	_ =	shalt  }
0x62: {  	_ =	shalt  }
0x63: {  	_ =	shalt  }
0x64: {  	_ =	shalt  }
0x65: {  	_ =	shalt  }
0x66: {  	_ =	shalt  }
0x67: {  	_ =	shalt  }
0x68: {  	_ =	shalt  }
0x69: {  	_ =	shalt  }
0x6a: {  	_ =	shalt  }
0x6b: {  	_ =	shalt  }
0x6c: {  	_ =	shalt  }
0x6d: {  	_ =	shalt  }
0x6e: {  	_ =	shalt  }
0x6f: {  	_ =	shalt  }
0x70: {  	_ =	shalt  }
0x71: {  	_ =	shalt  }
0x72: {  	_ =	shalt  }
0x73: {  	_ =	shalt  }
0x74: {  	_ =	shalt  }
0x75: {  	_ =	shalt  }
0x76: {  	_ =	shalt  }
0x77: {  	_ =	shalt  }
0x78: {  	_ =	shalt  }
0x79: {  	_ =	shalt  }
0x7a: {  	_ =	shalt  }
0x7b: {  	_ =	shalt  }
0x7c: {  	_ =	shalt  }
0x7d: {  	_ =	shalt  }
0x7e: {  	_ =	shalt  }
0x7f: {  	_ =	shalt  }
0x80: {  	_ =	shalt  }
0x81: {  	_ =	shalt  }
0x82: {  	_ =	shalt  }
0x83: {  	_ =	shalt  }
0x84: {  	_ =	shalt  }
0x85: {  	_ =	shalt  }
0x86: {  	_ =	shalt  }
0x87: {  	_ =	shalt  }
.Lfunc_end0:
.L_simem_size_0:
called_computation.1_lowered:
.L_overlay_start_0:
0x88: {  	s2 =	sld [smem:$0x3FD9]  }
0x89: {  	s3 =	sld [smem:$0x3FFE];
	_ =	sdelay $0x1  }
0x8a: {  	s1 =	srdreg.scid  }
0x8b: {  	s0 =	sand.u32 $0x1, s1  }
0x8c: {  	s16 =	sshll.u32 s0, $0xA;
	s2 =	sadd.s32 s3, s2  }
0x8d: {  	s2 =	sadd.s32 s2, s16  }
0x8e: {  	[smem:$0x3FBF] =	sst s2  }
0x8f: {  	_ = 	snop  }
0x90: {  	(tm) =	ssettm $0x1  }
0x91: {  	s17 =	sld [smem:$0x3FFB];
	_ =	sdelay $0x3  }
0x92: {  	_ =	strace s17  }
0x93: {  	s2 =	sld [smem:$0x3FFC];
	_ =	sdelay $0x3  }
0x94: {  	_ =	strace s2  }
0x95: {  	s2 =	sld [smem:$0x3FFD];
	_ =	sdelay $0x3  }
0x96: {  	_ =	strace s2  }
0x97: {  	_ =	strace $0x8FFFFFFF  }
0x98: {  	s18 =	sld [smem:$0x3FDB];
	_ =	sdelay $0x1  }
0x99: {  	s19 =	simm.s32 $_scs_section_size  }
0x9a: {  	s4 =	simm.s32 $_size__tile_overlayer_lowered;
	s5 =	simm.s32 $_tile_overlayer_lowered  }
0x9b: {  	s22 =	simm.s32 $0x1BFF;
	s21 =	sshll.u32 s5, $0x1;
	s2 =	sadd.s32 s19, s18  }
0x9c: {  	s6 =	simm.s32 $0x0;
	s20 =	sshll.u32 s4, $0x1;
	s4 =	sadd.s32 s21, s2  }
0x9d: {  	[timem:s6], [sflag:s22] =	dma.local [hbm:s4], s20  }
0x9e: {  	_ =	swait.ge [sflag:s22], s20  }
0x9f: {  	s3 =	ssub.s32 $0x0, s20;
	[sflag:s22] =	ssyncset.done $0x0  }
0xa0: {  	[sflag:s22] =	ssyncadd.s32 s3;
	_ =	sdelay $0x1  }
0xa1: {  	s23 =	simm.s32 $0x1B8B  }
0xa2: {  	_ =	swait.ge [sflag:s23], $0x1  }
0xa3: {  	[sflag:s23] =	ssyncset.done $0x0  }
0xa4: {  	s25 =	simm.s32 $0x1B8E;
	s24 =	sld [smem:$0x3FFE];
	[sflag:s23] =	ssyncadd.s32 $0xFFFFFFFF  }
0xa5: {  	s26 =	simm.s32 $execute0_lowered;
	[smem:$0x3FD2] =	sst s25  }
0xa6: {  	s4 =	sshll.u32 s26, $0x1;
	_ =	strace $0x80000049;
	[dreg:$0x1] =	wrdreg $0xFFFFFFFF  }
0xa7: {  	s28 =	simm.s32 $_size_execute0_lowered;
	s2 =	sadd.s32 s2, s4;
	[dreg:$0x0] =	wrdreg $0x0  }
0xa8: {  	s4 =	sshll.u32 s28, $0x1;
	[dreg:$0x2] =	wrdreg s2  }
0xa9: {  	[dreg:$0x3] =	wrdreg s4  }
0xaa: {  	[dreg:$0x4] =	wrdreg $0xC0  }
0xab: {  	_ =	task [dreg:s6], $0x5FFFF  }
0xac: {  	[dreg:$0x1] =	wrdreg $0xFFFFFFFF  }
0xad: {  	[dreg:$0x0] =	wrdreg $0x60  }
0xae: {  	[dreg:$0x2] =	wrdreg s24  }
0xaf: {  	[dreg:$0x3] =	wrdreg $0x4F000  }
0xb0: {  	[dreg:$0x4] =	wrdreg $0x9  }
0xb1: {  	_ =	task.clear_ibuf [dreg:s6], $0x5FFFF;
	_ =	strace $0x90000049  }
0xb2: {  	s29 =	simm.s32 $0x9;
	_ =	strace $0x8000004B  }
0xb3: {  	_ =	swait.ge [sflag:s29], $0x1  }
0xb4: {  	[sflag:s29] =	ssyncadd.s32 $0xFFFFFFFF  }
0xb5: {  	_ =	strace $0x9000004B  }
0xb6: {  	_ =	sfence  }
0xb7: {  	s30 =	sld [smem:$0x0];
	_ =	sdelay $0x2  }
0xb8: {  	s31 =	sshll.u32 s1, $0xD;
	s1 =	sshrl.u32 s1, $0x2  }
0xb9: {  	s3 =	sand.u32 $0x4000, s31;
	s1 =	sadd.s32 s1, s30  }
0xba: {  	s0 =	sor.u32 s3, s0;
	s1 =	sshll.u32 s1, $0x11  }
0xbb: {  	s0 =	sor.u32 s1, s0  }
0xbc: {  	s0 =	sadd.s32 $0x8F2B, s0  }
0xbd: {  	[sflag:s0] =	ssyncadd.remote.s32 $0x1  }
0xbe: {  	_ =	sfence.sel $0xFFFF  }
0xbf: {  	[dreg:$0x0] =	wrdreg $0xFFFFFFFF;
	(pc) =	sbr.abs _section_cstart, $3  }
0xc0: {  	[dreg:$0x1] =	wrdreg $0xFFFFFFFF  }
0xc1: {  	_ =	task.clear_ibuf [dreg:s6], $0x2FFFF;
	_ =	strace $0x9FFFFFFF  }
0xc2: {  	(tm) =	ssettm $0x7FFFFFFF  }
0xc3: {  	_ =	shalt  }
tec
execute0_lowered:
.L_overlay_start_1:
0x0: {  	(tag) =	ssettag $0x1  }
0x1: {  	s6 =	rddreg [dreg:$0x0]  }
0x2: {  	s0 =	srdreg.scid;
	s2 =	rddreg [dreg:$0x1]  }
0x3: {  	s3 =	simm.s32 $0x0;
	s14 =	simm.s32 $0x80;
	s15 =	simm.s32 $0xEF00  }
0x4: {  	s16 =	simm.s32 $0x1;
	s5 =	sand.u32 $0x1, s0;
	s0 =	stileid.u32  }
0x5: {  	s17 =	simm.s32 $0x0;
	[smem:$0x7FF] =	sst s3;
	s7 =	smul.u32 $0xA000, s0  }
0x6: {  	s1 =	sshll.u32 s5, $0x4;
	s8 =	smul.u32 $0xA0000, s5;
	s5 =	ssub.s32 $0x2, s5  }
0x7: {  	s31 =	sshll.u32 s0, $0x6;
	s1 =	sor.u32 s0, s1;
	s11 =	sshrl.u32 s5, $0x1  }
0x8: {  	s4 =	smul.u32 $0x4F0, s1;
	s1 =	rddreg [dreg:$0x2];
	_ =	strace $0x8000004A  }
0x9: {  	s8 =	sadd.s32 s7, s8;
	s10 =	sshrl.u32 s7, $0x3;
	s11 =	ssub.s32 s5, s11  }
0xa: {  	s13 =	sadd.s32 s7, s2;
	s8 =	sshrl.u32 s8, $0x3;
	s10 =	sadd.s32 s10, s6  }
0xb: {  	s9 =	sadd.s32 s4, s6;
	s4 =	sadd.s32 $0x40600, s6;
	s12 =	sadd.s32 s8, s6  }
0xc: {  	s5 =	sadd.s32 $0x54000, s10;
	s6 =	sor.u32 $0x1C02, s31;
	s10 =	smax.u32 s11, $0x1  }
0xd: {  	s11 =	sshrl.u32 s13, $0x3;
	s13 =	simm.s32 $0x2780;
	s7 =	sadd.s32 $0x5800, s9  }
0xe: {  	s8 =	sadd.s32 $0xF600, s9;
	s9 =	sadd.s32 $0x68000, s12;
	s12 =	simm.s32 $0x2  }
.LBB2_1:
0xf: {  	[spmem:s11], [sflag:s6] =	dma.local [hbm:s5], $0x1400  }
0x10: {  	_ =	swait.ge [sflag:s12], $0x1400  }
0x11: {  	[sflag:s12] =	ssyncset.done $0x0  }
0x12: {  	[sflag:s12] =	ssyncadd.s32 $0xFFFFEC00  }
0x13: {  	[tilespmem:s3], [sflag:$0x2] =	stream.linear.gather [hbm4b:s7+s3], $0x2780, $0x38;
	[tilespmem:$0x10F00] =	vst v63  }
0x14: {  	_ =	swait.ge [sflag:s12], $0x2780  }
0x15: {  	[sflag:s12] =	ssyncset.done $0x0  }
0x16: {  	[sflag:s12] =	ssyncadd.s32 $0xFFFFD880  }
0x17: {  	[tilespmem:s13], [sflag:$0x2] =	stream.linear.gather [hbm4b:s8+s3], $0x2780, $0x38;
	[tilespmem:$0x10F00] =	vst v63  }
0x18: {  	_ =	swait.ge [sflag:s12], $0x2780  }
0x19: {  	[sflag:s12] =	ssyncset.done $0x0  }
0x1a: {  	[sflag:s12] =	ssyncadd.s32 $0xFFFFD880  }
0x1b: {  	s18 =	simm.s32 $0x0;
	[bflag:$0x0] =	sbarrier.arrive $0xFFFF  }
0x1c: {  	[tilespmem:s15], [sflag:$0x1] =	stream.indirect.gather [hbm4b:s4+s14], $0x40, s18, s14, $0xb8;
	[tilespmem:$0x10F00] =	vst v63  }
0x1d: {  	_ =	swait.ge [sflag:s16], $0x2000  }
0x1e: {  	[sflag:s16] =	ssyncset.done $0x0  }
0x1f: {  	s31 =	simm.s32 $0x2780;
	[sflag:s16] =	ssyncadd.s32 $0xFFFFE000  }
0x20: {  	[spmem:s2] =	stream.indirect.scatter.add.f32 [tilespmem:s15], [sflag:$0x2], $0x40, s31, s14, $0xb8;
	[tilespmem:$0x10F00] =	vst v63  }
0x21: {  	_ =	swait.ge [sflag:s12], $0x2000  }
0x22: {  	s19 =	simm.s32 $0x400;
	s18 =	simm.s32 $0x200;
	[sflag:s12] =	ssyncset.done $0x0  }
.LBB2_2:
0x23: {  	s20 =	sshra.s32 s18, $0x2  }
0x24: {  	[sflag:s12] =	ssyncadd.s32 $0xFFFFE000;
	s18 =	smov.u32 s19;
	s21 =	sadd.s32 $0x200, s19  }
0x25: {  	[tilespmem:s15], [sflag:$0x1] =	stream.indirect.gather [hbm4b:s4+s14], $0x40, s20, s14, $0xb8;
	[tilespmem:$0x10F00] =	vst v63  }
0x26: {  	p0 =	sne.s32 s19, $0x9C00;
	_ =	swait.ge [sflag:s16], $0x2000  }
.Ltmp0:
0x27: {  	[sflag:s16] =	ssyncset.done $0x0;
	(pc) =	sbr.rel @p0 .LBB2_2-.Ltmp0, $4  }
0x28: {  	s19 =	sadd.s32 $0x2780, s20;
	[sflag:s16] =	ssyncadd.s32 $0xFFFFE000  }
0x29: {  	[spmem:s2] =	stream.indirect.scatter.add.f32 [tilespmem:s15], [sflag:$0x2], $0x40, s19, s14, $0xb8;
	[tilespmem:$0x10F00] =	vst v63  }
0x2a: {  	_ =	swait.ge [sflag:s12], $0x2000  }
0x2b: {  	s19 =	smov.u32 s21;
	[sflag:s12] =	ssyncset.done $0x0  }
0x2c: {  	s18 =	sshra.s32 s18, $0x2;
	[sflag:s12] =	ssyncadd.s32 $0xFFFFE000  }
0x2d: {  	[tilespmem:s15], [sflag:$0x1] =	stream.indirect.gather [hbm4b:s4+s14], $0x40, s18, s14, $0xb8;
	[tilespmem:$0x10F00] =	vst v63  }
0x2e: {  	_ =	swait.ge [sflag:s16], $0x2000  }
0x2f: {  	[sflag:s16] =	ssyncset.done $0x0  }
0x30: {  	s18 =	sadd.s32 $0x2780, s18;
	[sflag:s16] =	ssyncadd.s32 $0xFFFFE000  }
0x31: {  	[spmem:s2] =	stream.indirect.scatter.add.f32 [tilespmem:s15], [sflag:$0x2], $0x40, s18, s14, $0xb8;
	[tilespmem:$0x10F00] =	vst v63  }
0x32: {  	_ =	swait.ge [sflag:s12], $0x2000  }
0x33: {  	s17 =	sadd.s32 $0x1, s17;
	[sflag:s12] =	ssyncset.done $0x0  }
0x34: {  	p0 =	sne.s32 s17, s10;
	[sflag:s12] =	ssyncadd.s32 $0xFFFFE000  }
.Ltmp1:
0x35: {  	[bflag:$0x0] =	sbarrier.arrive $0xFFFF;
	(pc) =	sbr.rel @p0 .LBB2_1-.Ltmp1, $4  }
0x36: {  	[hbm:s9], [sflag:s6] =	dma.local [spmem:s11], $0x1400  }
0x37: {  	_ =	swait.ge [sflag:s12], $0x1400  }
0x38: {  	[sflag:s12] =	ssyncset.done $0x0  }
0x39: {  	[sflag:s12] =	ssyncadd.s32 $0xFFFFEC00  }
0x3a: {  	_ =	sfence.sel $0x180000  }
0x3b: {  	[bflag:$0x0] =	sbarrier.arrive $0xFFFF  }
0x3c: {  	p0 =	sne.s32 s0, $0x0;
	_ =	strace $0x9000004A  }
0x3d: {  	s0 =	sadd.s32 @!p0 $0x100000, s1;
	[bflag:$0x2] =	sbarrier.arrive $0xFFFF  }
0x3e: {  	[sflag:s0] =	ssyncadd.tile.s32 @!p0 $0x1;
	_ =	shalt  }
.Lfunc_end2:
_tile_overlayer_lowered:
.L_overlay_start_2:
0x3f: {  	(tag) =	ssettag $0x2  }
0x40: {  	s0 =	rddreg [dreg:$0x0];
	s2 =	stileid.u32  }
0x41: {  	s1 =	rddreg [dreg:$0x1];
	p0 =	sne.s32 s2, $0x0  }
0x42: {  	s3 =	rddreg [dreg:$0x2];
	[bflag:$0x3] =	sbarrier.arrive $0xFFFF;
	s2 =	simm.s32 @!p0 $0x1C02  }
0x43: {  	[timem:s3], [sflag:s2] =	dma.local @!p0 [hbm:s0], s1  }
0x44: {  	s0 =	simm.s32 @!p0 $0x2  }
0x45: {  	_ =	swait.ge @!p0 [sflag:s0], s1  }
0x46: {  	s1 =	ssub.s32 @!p0 $0x0, s1;
	[sflag:s0] =	ssyncset.done @!p0 $0x0  }
0x47: {  	[sflag:s0] =	ssyncadd.s32 @!p0 s1  }
0x48: {  	[bflag:$0x3] =	sbarrier.arrive $0xFFFF  }
0x49: {  	_ =	shalt  }

// kernel: kernel.15.cloned.1.call-start
scs
__scs_entry_jumppad:
0x0: {  	(pc) =	sbr.rel $0x88, $3  }
0x1: {  	(tag) =	ssettag $0x0;
	lr =	simm.s32 $0x1  }
0x2: {  	[smem:$0x3F98] =	sst lr;
	_ =	strace $0xD0000000  }
0x3: {  	_ = 	snop  }
0x4: {  	_ = 	snop  }
0x5: {  	_ = 	snop  }
0x6: {  	_ = 	snop  }
0x7: {  	_ = 	snop  }
__scs_overlays_trampoline_lowered:
0x8: {  	[smem:$0x3FA7] =	sst s0  }
0x9: {  	[smem:$0x3FA8] =	sst s1  }
0xa: {  	[smem:$0x3FA9] =	sst s2  }
0xb: {  	[smem:$0x3FAA] =	sst s3  }
0xc: {  	[smem:$0x3FAB] =	sst s4  }
0xd: {  	[smem:$0x3FAC] =	sst s5  }
0xe: {  	[smem:$0x3FAD] =	sst s6  }
0xf: {  	[smem:$0x3FAE] =	sst s7  }
0x10: {  	[smem:$0x3FAF] =	sst s8  }
0x11: {  	[smem:$0x3FB0] =	sst s9;
	s0 =	simm.s32 @!p0 $0x0  }
0x12: {  	s1 =	sld [smem:$0x3F96];
	s0 =	simm.s32 @p0 $0x1  }
0x13: {  	[smem:$0x3FB1] =	sst s0;
	s0 =	simm.s32 @!p1 $0x0  }
0x14: {  	s2 =	sld [smem:$0x3F95];
	s0 =	simm.s32 @p1 $0x1  }
0x15: {  	[smem:$0x3FB2] =	sst s0;
	s0 =	simm.s32 @!p2 $0x0  }
0x16: {  	s3 =	sld [smem:$0x3FDB];
	s0 =	simm.s32 @p2 $0x1  }
0x17: {  	s4 =	simm.s32 $0x1BF5;
	[smem:$0x3FB4] =	sst s0  }
0x18: {  	s0 =	sld [smem:$0x3F97];
	_ =	swait.ge [sflag:s4], $0x0  }
0x19: {  	s7 =	sld [smem:$0x3F98]  }
0x1a: {  	s8 =	sadd.s32 $0xFFFFE003, lr  }
0x1b: {  	s9 =	sadd.s32 $0xFFFFFEF7, lr;
	s5 =	simm.s32 $0xFFFFFFFF;
	p2 =	slt.u32 s8, $0xFFFFF086  }
0x1c: {  	p1 =	slt.u32 s9, $0xF7A;
	s5 =	simm.s32 @!p2 $0x0  }
0x1d: {  	s5 =	simm.s32 @p1 $0x1;
	p0 =	seq.s32 s7, s2  }
0x1e: {  	s7 =	smul.u32 @!p0 $0xF7A, s2;
	p2 =	seq.s32 @!p0 s5, $0x0  }
0x1f: {  	s9 =	smul.u32 $0xF7A, s1;
	s8 =	simm.s32 @!p0 $0x1BF5;
	p2 =	por !p2, p0  }
0x20: {  	[sflag:s8] =	ssyncset.s32 @!p0 $0xFFFFF086;
	s6 =	sadd.s32 @!p0 s3, s7;
	s7 =	simm.s32 @!p0 $0x108  }
0x21: {  	s3 =	sadd.s32 s3, s9;
	s6 =	sadd.s32 @!p0 $0x88, s6;
	s7 =	simm.s32 @p2 $0x1082  }
0x22: {  	[simem:s7], [sflag:s8] =	dma.local @!p0 [hbm:s6], $0xF7A  }
0x23: {  	s9 =	sor.u32 $0xD0000000, s2;
	s6 =	simm.s32 $0x108;
	_ =	swait.ge @!p0 [sflag:s8], $0x0  }
0x24: {  	s3 =	sadd.s32 $0x88, s3;
	s6 =	simm.s32 @!p1 $0x1082;
	[sflag:s4] =	ssyncset.s32 $0xFFFFF086  }
0x25: {  	[simem:s6], [sflag:s4] =	dma.local [hbm:s3], $0xF7A  }
0x26: {  	[smem:$0x3F98] =	sst s1;
	(tag) =	ssettag s2;
	_ =	strace s9  }
0x27: {  	s1 =	sld [smem:$0x3FA8]  }
0x28: {  	s2 =	sld [smem:$0x3FA9]  }
0x29: {  	s4 =	sld [smem:$0x3FAB]  }
0x2a: {  	p0 =	seq.s32 s5, $0x0;
	s5 =	sld [smem:$0x3FAC]  }
0x2b: {  	s6 =	sld [smem:$0x3FAD]  }
0x2c: {  	s7 =	sld [smem:$0x3FAE]  }
0x2d: {  	s3 =	simm.s32 $0x108;
	s8 =	sld [smem:$0x3FAF]  }
0x2e: {  	s3 =	simm.s32 @!p0 $0x1082;
	s9 =	sld [smem:$0x3FB0]  }
0x2f: {  	lr =	sadd.s32 s0, s3;
	s0 =	sld [smem:$0x3FA7]  }
0x30: {  	s3 =	sld [smem:$0x3FAA]  }
0x31: {  	[smem:$0x3FB3] =	sst s10  }
0x32: {  	s10 =	sld [smem:$0x3FB1];
	_ =	sdelay $0x3  }
0x33: {  	p0 =	seq.s32 s10, $0x1;
	s10 =	sld [smem:$0x3FB3];
	_ =	sdelay $0x3  }
0x34: {  	[smem:$0x3FB3] =	sst s10  }
0x35: {  	s10 =	sld [smem:$0x3FB2];
	_ =	sdelay $0x3  }
0x36: {  	p1 =	seq.s32 s10, $0x1;
	s10 =	sld [smem:$0x3FB3];
	_ =	sdelay $0x3  }
0x37: {  	[smem:$0x3FB3] =	sst s10  }
0x38: {  	s10 =	sld [smem:$0x3FB4]  }
0x39: {  	_ = 	snop;
	(pc) =	sbr.ind lr, $3  }
0x3a: {  	_ = 	snop  }
0x3b: {  	_ = 	snop  }
0x3c: {  	p2 =	seq.s32 s10, $0x1;
	s10 =	sld [smem:$0x3FB3]  }
0x3d: {  	_ =	shalt  }
0x3e: {  	_ =	shalt  }
0x3f: {  	_ =	shalt  }
0x40: {  	_ =	shalt  }
0x41: {  	_ =	shalt  }
0x42: {  	_ =	shalt  }
0x43: {  	_ =	shalt  }
0x44: {  	_ =	shalt  }
0x45: {  	_ =	shalt  }
0x46: {  	_ =	shalt  }
0x47: {  	_ =	shalt  }
0x48: {  	_ =	shalt  }
0x49: {  	_ =	shalt  }
0x4a: {  	_ =	shalt  }
0x4b: {  	_ =	shalt  }
0x4c: {  	_ =	shalt  }
0x4d: {  	_ =	shalt  }
0x4e: {  	_ =	shalt  }
0x4f: {  	_ =	shalt  }
0x50: {  	_ =	shalt  }
0x51: {  	_ =	shalt  }
0x52: {  	_ =	shalt  }
0x53: {  	_ =	shalt  }
0x54: {  	_ =	shalt  }
0x55: {  	_ =	shalt  }
0x56: {  	_ =	shalt  }
0x57: {  	_ =	shalt  }
0x58: {  	_ =	shalt  }
0x59: {  	_ =	shalt  }
0x5a: {  	_ =	shalt  }
0x5b: {  	_ =	shalt  }
0x5c: {  	_ =	shalt  }
0x5d: {  	_ =	shalt  }
0x5e: {  	_ =	shalt  }
0x5f: {  	_ =	shalt  }
0x60: {  	_ =	shalt  }
0x61: {  	_ =	shalt  }
0x62: {  	_ =	shalt  }
0x63: {  	_ =	shalt  }
0x64: {  	_ =	shalt  }
0x65: {  	_ =	shalt  }
0x66: {  	_ =	shalt  }
0x67: {  	_ =	shalt  }
0x68: {  	_ =	shalt  }
0x69: {  	_ =	shalt  }
0x6a: {  	_ =	shalt  }
0x6b: {  	_ =	shalt  }
0x6c: {  	_ =	shalt  }
0x6d: {  	_ =	shalt  }
0x6e: {  	_ =	shalt  }
0x6f: {  	_ =	shalt  }
0x70: {  	_ =	shalt  }
0x71: {  	_ =	shalt  }
0x72: {  	_ =	shalt  }
0x73: {  	_ =	shalt  }
0x74: {  	_ =	shalt  }
0x75: {  	_ =	shalt  }
0x76: {  	_ =	shalt  }
0x77: {  	_ =	shalt  }
0x78: {  	_ =	shalt  }
0x79: {  	_ =	shalt  }
0x7a: {  	_ =	shalt  }
0x7b: {  	_ =	shalt  }
0x7c: {  	_ =	shalt  }
0x7d: {  	_ =	shalt  }
0x7e: {  	_ =	shalt  }
0x7f: {  	_ =	shalt  }
0x80: {  	_ =	shalt  }
0x81: {  	_ =	shalt  }
0x82: {  	_ =	shalt  }
0x83: {  	_ =	shalt  }
0x84: {  	_ =	shalt  }
0x85: {  	_ =	shalt  }
0x86: {  	_ =	shalt  }
0x87: {  	_ =	shalt  }
.Lfunc_end0:
.L_simem_size_0:
called_computation.2_lowered:
.L_overlay_start_0:
0x88: {  	s2 =	sld [smem:$0x3FD9]  }
0x89: {  	s3 =	sld [smem:$0x3FFE];
	_ =	sdelay $0x1  }
0x8a: {  	s1 =	srdreg.scid  }
0x8b: {  	s0 =	sand.u32 $0x1, s1  }
0x8c: {  	s16 =	sshll.u32 s0, $0xA;
	s2 =	sadd.s32 s3, s2  }
0x8d: {  	s2 =	sadd.s32 s2, s16  }
0x8e: {  	[smem:$0x3FBF] =	sst s2  }
0x8f: {  	_ = 	snop  }
0x90: {  	(tm) =	ssettm $0x1  }
0x91: {  	s17 =	sld [smem:$0x3FFB];
	_ =	sdelay $0x3  }
0x92: {  	_ =	strace s17  }
0x93: {  	s2 =	sld [smem:$0x3FFC];
	_ =	sdelay $0x3  }
0x94: {  	_ =	strace s2  }
0x95: {  	s2 =	sld [smem:$0x3FFD];
	_ =	sdelay $0x3  }
0x96: {  	_ =	strace s2  }
0x97: {  	_ =	strace $0x8FFFFFFF  }
0x98: {  	s18 =	sld [smem:$0x3FDB];
	_ =	sdelay $0x1  }
0x99: {  	s19 =	simm.s32 $_scs_section_size  }
0x9a: {  	s4 =	simm.s32 $_size__tile_overlayer_lowered;
	s5 =	simm.s32 $_tile_overlayer_lowered  }
0x9b: {  	s22 =	simm.s32 $0x1BFF;
	s21 =	sshll.u32 s5, $0x1;
	s2 =	sadd.s32 s19, s18  }
0x9c: {  	s6 =	simm.s32 $0x0;
	s20 =	sshll.u32 s4, $0x1;
	s4 =	sadd.s32 s21, s2  }
0x9d: {  	[timem:s6], [sflag:s22] =	dma.local [hbm:s4], s20  }
0x9e: {  	_ =	swait.ge [sflag:s22], s20  }
0x9f: {  	s3 =	ssub.s32 $0x0, s20;
	[sflag:s22] =	ssyncset.done $0x0  }
0xa0: {  	[sflag:s22] =	ssyncadd.s32 s3;
	_ =	sdelay $0x1  }
0xa1: {  	s23 =	simm.s32 $0x1B8B  }
0xa2: {  	_ =	swait.ge [sflag:s23], $0x1  }
0xa3: {  	[sflag:s23] =	ssyncset.done $0x0  }
0xa4: {  	s25 =	simm.s32 $0x1B8E;
	s24 =	sld [smem:$0x3FFE];
	[sflag:s23] =	ssyncadd.s32 $0xFFFFFFFF  }
0xa5: {  	s26 =	simm.s32 $execute0_lowered;
	[smem:$0x3FD2] =	sst s25  }
0xa6: {  	s4 =	sshll.u32 s26, $0x1;
	_ =	strace $0x8000004C;
	[dreg:$0x1] =	wrdreg $0xFFFFFFFF  }
0xa7: {  	s28 =	simm.s32 $_size_execute0_lowered;
	s2 =	sadd.s32 s2, s4;
	[dreg:$0x0] =	wrdreg $0x0  }
0xa8: {  	s4 =	sshll.u32 s28, $0x1;
	[dreg:$0x2] =	wrdreg s2  }
0xa9: {  	[dreg:$0x3] =	wrdreg s4  }
0xaa: {  	[dreg:$0x4] =	wrdreg $0xC0  }
0xab: {  	_ =	task [dreg:s6], $0x5FFFF  }
0xac: {  	[dreg:$0x1] =	wrdreg $0xFFFFFFFF  }
0xad: {  	[dreg:$0x0] =	wrdreg $0x60  }
0xae: {  	[dreg:$0x2] =	wrdreg s24  }
0xaf: {  	[dreg:$0x3] =	wrdreg $0x4F000  }
0xb0: {  	[dreg:$0x4] =	wrdreg $0x9  }
0xb1: {  	_ =	task.clear_ibuf [dreg:s6], $0x5FFFF;
	_ =	strace $0x9000004C  }
0xb2: {  	s29 =	simm.s32 $0x9;
	_ =	strace $0x8000004E  }
0xb3: {  	_ =	swait.ge [sflag:s29], $0x1  }
0xb4: {  	[sflag:s29] =	ssyncadd.s32 $0xFFFFFFFF  }
0xb5: {  	_ =	strace $0x9000004E  }
0xb6: {  	_ =	sfence  }
0xb7: {  	s30 =	sld [smem:$0x0];
	_ =	sdelay $0x2  }
0xb8: {  	s31 =	sshll.u32 s1, $0xD;
	s1 =	sshrl.u32 s1, $0x2  }
0xb9: {  	s3 =	sand.u32 $0x4000, s31;
	s1 =	sadd.s32 s1, s30  }
0xba: {  	s0 =	sor.u32 s3, s0;
	s1 =	sshll.u32 s1, $0x11  }
0xbb: {  	s0 =	sor.u32 s1, s0  }
0xbc: {  	s0 =	sadd.s32 $0x8F2B, s0  }
0xbd: {  	[sflag:s0] =	ssyncadd.remote.s32 $0x1  }
0xbe: {  	_ =	sfence.sel $0xFFFF  }
0xbf: {  	[dreg:$0x0] =	wrdreg $0xFFFFFFFF;
	(pc) =	sbr.abs _section_cstart, $3  }
0xc0: {  	[dreg:$0x1] =	wrdreg $0xFFFFFFFF  }
0xc1: {  	_ =	task.clear_ibuf [dreg:s6], $0x2FFFF;
	_ =	strace $0x9FFFFFFF  }
0xc2: {  	(tm) =	ssettm $0x7FFFFFFF  }
0xc3: {  	_ =	shalt  }
tec
execute0_lowered:
.L_overlay_start_1:
0x0: {  	(tag) =	ssettag $0x1  }
0x1: {  	s6 =	rddreg [dreg:$0x0]  }
0x2: {  	s0 =	srdreg.scid;
	s2 =	rddreg [dreg:$0x1]  }
0x3: {  	s3 =	simm.s32 $0x0;
	s14 =	simm.s32 $0x80;
	s15 =	simm.s32 $0x5900  }
0x4: {  	s16 =	simm.s32 $0x1;
	s5 =	sand.u32 $0x1, s0;
	s0 =	stileid.u32  }
0x5: {  	s17 =	simm.s32 $0x0;
	[smem:$0x7FF] =	sst s3;
	s7 =	smul.u32 $0x1400, s0  }
0x6: {  	s1 =	sshll.u32 s5, $0x4;
	s8 =	smul.u32 $0x14000, s5;
	s5 =	ssub.s32 $0x2, s5  }
0x7: {  	s31 =	sshll.u32 s0, $0x6;
	s1 =	sor.u32 s0, s1;
	s11 =	sshrl.u32 s5, $0x1  }
0x8: {  	s4 =	smul.u32 $0x4F0, s1;
	s1 =	rddreg [dreg:$0x2];
	_ =	strace $0x8000004D  }
0x9: {  	s8 =	sadd.s32 s7, s8;
	s10 =	sshrl.u32 s7, $0x3;
	s11 =	ssub.s32 s5, s11  }
0xa: {  	s13 =	sadd.s32 s7, s2;
	s8 =	sshrl.u32 s8, $0x3;
	s10 =	sadd.s32 s10, s6  }
0xb: {  	s9 =	sadd.s32 s4, s6;
	s4 =	sadd.s32 $0x40600, s6;
	s12 =	sadd.s32 s8, s6  }
0xc: {  	s5 =	sadd.s32 $0x2E00, s10;
	s6 =	sor.u32 $0x1C02, s31;
	s10 =	smax.u32 s11, $0x1  }
0xd: {  	s11 =	sshrl.u32 s13, $0x3;
	s13 =	simm.s32 $0x2780;
	s7 =	sadd.s32 $0x5800, s9  }
0xe: {  	s8 =	sadd.s32 $0xF600, s9;
	s9 =	sadd.s32 $0x42E00, s12;
	s12 =	simm.s32 $0x2  }
.LBB2_1:
0xf: {  	[spmem:s11], [sflag:s6] =	dma.local [hbm:s5], $0x280  }
0x10: {  	_ =	swait.ge [sflag:s12], $0x280  }
0x11: {  	[sflag:s12] =	ssyncset.done $0x0  }
0x12: {  	[sflag:s12] =	ssyncadd.s32 $0xFFFFFD80  }
0x13: {  	[tilespmem:s3], [sflag:$0x2] =	stream.linear.gather [hbm4b:s7+s3], $0x2780, $0x38;
	[tilespmem:$0x5D00] =	vst v63  }
0x14: {  	_ =	swait.ge [sflag:s12], $0x2780  }
0x15: {  	[sflag:s12] =	ssyncset.done $0x0  }
0x16: {  	[sflag:s12] =	ssyncadd.s32 $0xFFFFD880  }
0x17: {  	[tilespmem:s13], [sflag:$0x2] =	stream.linear.gather [hbm4b:s8+s3], $0x2780, $0x38;
	[tilespmem:$0x5D00] =	vst v63  }
0x18: {  	_ =	swait.ge [sflag:s12], $0x2780  }
0x19: {  	[sflag:s12] =	ssyncset.done $0x0  }
0x1a: {  	[sflag:s12] =	ssyncadd.s32 $0xFFFFD880  }
0x1b: {  	s18 =	simm.s32 $0x0;
	[bflag:$0x0] =	sbarrier.arrive $0xFFFF  }
0x1c: {  	[tilespmem:s15], [sflag:$0x1] =	stream.indirect.gather [hbm4b:s4+s14], $0x4, s18, s14, $0xb8;
	[tilespmem:$0x5D00] =	vst v63  }
0x1d: {  	_ =	swait.ge [sflag:s16], $0x200  }
0x1e: {  	[sflag:s16] =	ssyncset.done $0x0  }
0x1f: {  	s31 =	simm.s32 $0x2780;
	[sflag:s16] =	ssyncadd.s32 $0xFFFFFE00  }
0x20: {  	[spmem:s2] =	stream.indirect.scatter.add.f32 [tilespmem:s15], [sflag:$0x2], $0x4, s31, s14, $0xb8;
	[tilespmem:$0x5D00] =	vst v63  }
0x21: {  	_ =	swait.ge [sflag:s12], $0x200  }
0x22: {  	s19 =	simm.s32 $0x400;
	s18 =	simm.s32 $0x200;
	[sflag:s12] =	ssyncset.done $0x0  }
.LBB2_2:
0x23: {  	s20 =	sshra.s32 s18, $0x2  }
0x24: {  	[sflag:s12] =	ssyncadd.s32 $0xFFFFFE00;
	s18 =	smov.u32 s19;
	s21 =	sadd.s32 $0x200, s19  }
0x25: {  	[tilespmem:s15], [sflag:$0x1] =	stream.indirect.gather [hbm4b:s4+s14], $0x4, s20, s14, $0xb8;
	[tilespmem:$0x5D00] =	vst v63  }
0x26: {  	p0 =	sne.s32 s19, $0x9C00;
	_ =	swait.ge [sflag:s16], $0x200  }
.Ltmp0:
0x27: {  	[sflag:s16] =	ssyncset.done $0x0;
	(pc) =	sbr.rel @p0 .LBB2_2-.Ltmp0, $4  }
0x28: {  	s19 =	sadd.s32 $0x2780, s20;
	[sflag:s16] =	ssyncadd.s32 $0xFFFFFE00  }
0x29: {  	[spmem:s2] =	stream.indirect.scatter.add.f32 [tilespmem:s15], [sflag:$0x2], $0x4, s19, s14, $0xb8;
	[tilespmem:$0x5D00] =	vst v63  }
0x2a: {  	_ =	swait.ge [sflag:s12], $0x200  }
0x2b: {  	s19 =	smov.u32 s21;
	[sflag:s12] =	ssyncset.done $0x0  }
0x2c: {  	s18 =	sshra.s32 s18, $0x2;
	[sflag:s12] =	ssyncadd.s32 $0xFFFFFE00  }
0x2d: {  	[tilespmem:s15], [sflag:$0x1] =	stream.indirect.gather [hbm4b:s4+s14], $0x4, s18, s14, $0xb8;
	[tilespmem:$0x5D00] =	vst v63  }
0x2e: {  	_ =	swait.ge [sflag:s16], $0x200  }
0x2f: {  	[sflag:s16] =	ssyncset.done $0x0  }
0x30: {  	s18 =	sadd.s32 $0x2780, s18;
	[sflag:s16] =	ssyncadd.s32 $0xFFFFFE00  }
0x31: {  	[spmem:s2] =	stream.indirect.scatter.add.f32 [tilespmem:s15], [sflag:$0x2], $0x4, s18, s14, $0xb8;
	[tilespmem:$0x5D00] =	vst v63  }
0x32: {  	_ =	swait.ge [sflag:s12], $0x200  }
0x33: {  	s17 =	sadd.s32 $0x1, s17;
	[sflag:s12] =	ssyncset.done $0x0  }
0x34: {  	p0 =	sne.s32 s17, s10;
	[sflag:s12] =	ssyncadd.s32 $0xFFFFFE00  }
.Ltmp1:
0x35: {  	[bflag:$0x0] =	sbarrier.arrive $0xFFFF;
	(pc) =	sbr.rel @p0 .LBB2_1-.Ltmp1, $4  }
0x36: {  	[hbm:s9], [sflag:s6] =	dma.local [spmem:s11], $0x280  }
0x37: {  	_ =	swait.ge [sflag:s12], $0x280  }
0x38: {  	[sflag:s12] =	ssyncset.done $0x0  }
0x39: {  	[sflag:s12] =	ssyncadd.s32 $0xFFFFFD80  }
0x3a: {  	_ =	sfence.sel $0x180000  }
0x3b: {  	[bflag:$0x0] =	sbarrier.arrive $0xFFFF  }
0x3c: {  	p0 =	sne.s32 s0, $0x0;
	_ =	strace $0x9000004D  }
0x3d: {  	s0 =	sadd.s32 @!p0 $0x100000, s1;
	[bflag:$0x2] =	sbarrier.arrive $0xFFFF  }
0x3e: {  	[sflag:s0] =	ssyncadd.tile.s32 @!p0 $0x1;
	_ =	shalt  }
.Lfunc_end2:
_tile_overlayer_lowered:
.L_overlay_start_2:
0x3f: {  	(tag) =	ssettag $0x2  }
0x40: {  	s0 =	rddreg [dreg:$0x0];
	s2 =	stileid.u32  }
0x41: {  	s1 =	rddreg [dreg:$0x1];
	p0 =	sne.s32 s2, $0x0  }
0x42: {  	s3 =	rddreg [dreg:$0x2];
	[bflag:$0x3] =	sbarrier.arrive $0xFFFF;
	s2 =	simm.s32 @!p0 $0x1C02  }
0x43: {  	[timem:s3], [sflag:s2] =	dma.local @!p0 [hbm:s0], s1  }
0x44: {  	s0 =	simm.s32 @!p0 $0x2  }
0x45: {  	_ =	swait.ge @!p0 [sflag:s0], s1  }
0x46: {  	s1 =	ssub.s32 @!p0 $0x0, s1;
	[sflag:s0] =	ssyncset.done @!p0 $0x0  }
0x47: {  	[sflag:s0] =	ssyncadd.s32 @!p0 s1  }
0x48: {  	[bflag:$0x3] =	sbarrier.arrive $0xFFFF  }
0x49: {  	_ =	shalt  }

// kernel: kernel.9.cloned.1.call-start
scs
__scs_entry_jumppad:
0x0: {  	(pc) =	sbr.rel $0x88, $3  }
0x1: {  	(tag) =	ssettag $0x0;
	lr =	simm.s32 $0x1  }
0x2: {  	[smem:$0x3F98] =	sst lr;
	_ =	strace $0xD0000000  }
0x3: {  	_ = 	snop  }
0x4: {  	_ = 	snop  }
0x5: {  	_ = 	snop  }
0x6: {  	_ = 	snop  }
0x7: {  	_ = 	snop  }
__scs_overlays_trampoline_lowered:
0x8: {  	[smem:$0x3FA7] =	sst s0  }
0x9: {  	[smem:$0x3FA8] =	sst s1  }
0xa: {  	[smem:$0x3FA9] =	sst s2  }
0xb: {  	[smem:$0x3FAA] =	sst s3  }
0xc: {  	[smem:$0x3FAB] =	sst s4  }
0xd: {  	[smem:$0x3FAC] =	sst s5  }
0xe: {  	[smem:$0x3FAD] =	sst s6  }
0xf: {  	[smem:$0x3FAE] =	sst s7  }
0x10: {  	[smem:$0x3FAF] =	sst s8  }
0x11: {  	[smem:$0x3FB0] =	sst s9;
	s0 =	simm.s32 @!p0 $0x0  }
0x12: {  	s1 =	sld [smem:$0x3F96];
	s0 =	simm.s32 @p0 $0x1  }
0x13: {  	[smem:$0x3FB1] =	sst s0;
	s0 =	simm.s32 @!p1 $0x0  }
0x14: {  	s2 =	sld [smem:$0x3F95];
	s0 =	simm.s32 @p1 $0x1  }
0x15: {  	[smem:$0x3FB2] =	sst s0;
	s0 =	simm.s32 @!p2 $0x0  }
0x16: {  	s3 =	sld [smem:$0x3FDB];
	s0 =	simm.s32 @p2 $0x1  }
0x17: {  	s4 =	simm.s32 $0x1BF5;
	[smem:$0x3FB4] =	sst s0  }
0x18: {  	s0 =	sld [smem:$0x3F97];
	_ =	swait.ge [sflag:s4], $0x0  }
0x19: {  	s7 =	sld [smem:$0x3F98]  }
0x1a: {  	s8 =	sadd.s32 $0xFFFFE003, lr  }
0x1b: {  	s9 =	sadd.s32 $0xFFFFFEF7, lr;
	s5 =	simm.s32 $0xFFFFFFFF;
	p2 =	slt.u32 s8, $0xFFFFF086  }
0x1c: {  	p1 =	slt.u32 s9, $0xF7A;
	s5 =	simm.s32 @!p2 $0x0  }
0x1d: {  	s5 =	simm.s32 @p1 $0x1;
	p0 =	seq.s32 s7, s2  }
0x1e: {  	s7 =	smul.u32 @!p0 $0xF7A, s2;
	p2 =	seq.s32 @!p0 s5, $0x0  }
0x1f: {  	s9 =	smul.u32 $0xF7A, s1;
	s8 =	simm.s32 @!p0 $0x1BF5;
	p2 =	por !p2, p0  }
0x20: {  	[sflag:s8] =	ssyncset.s32 @!p0 $0xFFFFF086;
	s6 =	sadd.s32 @!p0 s3, s7;
	s7 =	simm.s32 @!p0 $0x108  }
0x21: {  	s3 =	sadd.s32 s3, s9;
	s6 =	sadd.s32 @!p0 $0x88, s6;
	s7 =	simm.s32 @p2 $0x1082  }
0x22: {  	[simem:s7], [sflag:s8] =	dma.local @!p0 [hbm:s6], $0xF7A  }
0x23: {  	s9 =	sor.u32 $0xD0000000, s2;
	s6 =	simm.s32 $0x108;
	_ =	swait.ge @!p0 [sflag:s8], $0x0  }
0x24: {  	s3 =	sadd.s32 $0x88, s3;
	s6 =	simm.s32 @!p1 $0x1082;
	[sflag:s4] =	ssyncset.s32 $0xFFFFF086  }
0x25: {  	[simem:s6], [sflag:s4] =	dma.local [hbm:s3], $0xF7A  }
0x26: {  	[smem:$0x3F98] =	sst s1;
	(tag) =	ssettag s2;
	_ =	strace s9  }
0x27: {  	s1 =	sld [smem:$0x3FA8]  }
0x28: {  	s2 =	sld [smem:$0x3FA9]  }
0x29: {  	s4 =	sld [smem:$0x3FAB]  }
0x2a: {  	p0 =	seq.s32 s5, $0x0;
	s5 =	sld [smem:$0x3FAC]  }
0x2b: {  	s6 =	sld [smem:$0x3FAD]  }
0x2c: {  	s7 =	sld [smem:$0x3FAE]  }
0x2d: {  	s3 =	simm.s32 $0x108;
	s8 =	sld [smem:$0x3FAF]  }
0x2e: {  	s3 =	simm.s32 @!p0 $0x1082;
	s9 =	sld [smem:$0x3FB0]  }
0x2f: {  	lr =	sadd.s32 s0, s3;
	s0 =	sld [smem:$0x3FA7]  }
0x30: {  	s3 =	sld [smem:$0x3FAA]  }
0x31: {  	[smem:$0x3FB3] =	sst s10  }
0x32: {  	s10 =	sld [smem:$0x3FB1];
	_ =	sdelay $0x3  }
0x33: {  	p0 =	seq.s32 s10, $0x1;
	s10 =	sld [smem:$0x3FB3];
	_ =	sdelay $0x3  }
0x34: {  	[smem:$0x3FB3] =	sst s10  }
0x35: {  	s10 =	sld [smem:$0x3FB2];
	_ =	sdelay $0x3  }
0x36: {  	p1 =	seq.s32 s10, $0x1;
	s10 =	sld [smem:$0x3FB3];
	_ =	sdelay $0x3  }
0x37: {  	[smem:$0x3FB3] =	sst s10  }
0x38: {  	s10 =	sld [smem:$0x3FB4]  }
0x39: {  	_ = 	snop;
	(pc) =	sbr.ind lr, $3  }
0x3a: {  	_ = 	snop  }
0x3b: {  	_ = 	snop  }
0x3c: {  	p2 =	seq.s32 s10, $0x1;
	s10 =	sld [smem:$0x3FB3]  }
0x3d: {  	_ =	shalt  }
0x3e: {  	_ =	shalt  }
0x3f: {  	_ =	shalt  }
0x40: {  	_ =	shalt  }
0x41: {  	_ =	shalt  }
0x42: {  	_ =	shalt  }
0x43: {  	_ =	shalt  }
0x44: {  	_ =	shalt  }
0x45: {  	_ =	shalt  }
0x46: {  	_ =	shalt  }
0x47: {  	_ =	shalt  }
0x48: {  	_ =	shalt  }
0x49: {  	_ =	shalt  }
0x4a: {  	_ =	shalt  }
0x4b: {  	_ =	shalt  }
0x4c: {  	_ =	shalt  }
0x4d: {  	_ =	shalt  }
0x4e: {  	_ =	shalt  }
0x4f: {  	_ =	shalt  }
0x50: {  	_ =	shalt  }
0x51: {  	_ =	shalt  }
0x52: {  	_ =	shalt  }
0x53: {  	_ =	shalt  }
0x54: {  	_ =	shalt  }
0x55: {  	_ =	shalt  }
0x56: {  	_ =	shalt  }
0x57: {  	_ =	shalt  }
0x58: {  	_ =	shalt  }
0x59: {  	_ =	shalt  }
0x5a: {  	_ =	shalt  }
0x5b: {  	_ =	shalt  }
0x5c: {  	_ =	shalt  }
0x5d: {  	_ =	shalt  }
0x5e: {  	_ =	shalt  }
0x5f: {  	_ =	shalt  }
0x60: {  	_ =	shalt  }
0x61: {  	_ =	shalt  }
0x62: {  	_ =	shalt  }
0x63: {  	_ =	shalt  }
0x64: {  	_ =	shalt  }
0x65: {  	_ =	shalt  }
0x66: {  	_ =	shalt  }
0x67: {  	_ =	shalt  }
0x68: {  	_ =	shalt  }
0x69: {  	_ =	shalt  }
0x6a: {  	_ =	shalt  }
0x6b: {  	_ =	shalt  }
0x6c: {  	_ =	shalt  }
0x6d: {  	_ =	shalt  }
0x6e: {  	_ =	shalt  }
0x6f: {  	_ =	shalt  }
0x70: {  	_ =	shalt  }
0x71: {  	_ =	shalt  }
0x72: {  	_ =	shalt  }
0x73: {  	_ =	shalt  }
0x74: {  	_ =	shalt  }
0x75: {  	_ =	shalt  }
0x76: {  	_ =	shalt  }
0x77: {  	_ =	shalt  }
0x78: {  	_ =	shalt  }
0x79: {  	_ =	shalt  }
0x7a: {  	_ =	shalt  }
0x7b: {  	_ =	shalt  }
0x7c: {  	_ =	shalt  }
0x7d: {  	_ =	shalt  }
0x7e: {  	_ =	shalt  }
0x7f: {  	_ =	shalt  }
0x80: {  	_ =	shalt  }
0x81: {  	_ =	shalt  }
0x82: {  	_ =	shalt  }
0x83: {  	_ =	shalt  }
0x84: {  	_ =	shalt  }
0x85: {  	_ =	shalt  }
0x86: {  	_ =	shalt  }
0x87: {  	_ =	shalt  }
.Lfunc_end0:
.L_simem_size_0:
called_computation_lowered:
.L_overlay_start_0:
0x88: {  	s2 =	sld [smem:$0x3FD9]  }
0x89: {  	s3 =	sld [smem:$0x3FFE];
	_ =	sdelay $0x1  }
0x8a: {  	s1 =	srdreg.scid  }
0x8b: {  	s0 =	sand.u32 $0x1, s1  }
0x8c: {  	s16 =	sshll.u32 s0, $0xA;
	s2 =	sadd.s32 s3, s2  }
0x8d: {  	s2 =	sadd.s32 s2, s16  }
0x8e: {  	[smem:$0x3FBF] =	sst s2  }
0x8f: {  	_ = 	snop  }
0x90: {  	(tm) =	ssettm $0x1  }
0x91: {  	s17 =	sld [smem:$0x3FFB];
	_ =	sdelay $0x3  }
0x92: {  	_ =	strace s17  }
0x93: {  	s2 =	sld [smem:$0x3FFC];
	_ =	sdelay $0x3  }
0x94: {  	_ =	strace s2  }
0x95: {  	s2 =	sld [smem:$0x3FFD];
	_ =	sdelay $0x3  }
0x96: {  	_ =	strace s2  }
0x97: {  	_ =	strace $0x8FFFFFFF  }
0x98: {  	s18 =	sld [smem:$0x3FDB];
	_ =	sdelay $0x1  }
0x99: {  	s19 =	simm.s32 $_scs_section_size  }
0x9a: {  	s4 =	simm.s32 $_size__tile_overlayer_lowered;
	s5 =	simm.s32 $_tile_overlayer_lowered  }
0x9b: {  	s22 =	simm.s32 $0x1BFF;
	s21 =	sshll.u32 s5, $0x1;
	s2 =	sadd.s32 s19, s18  }
0x9c: {  	s6 =	simm.s32 $0x0;
	s20 =	sshll.u32 s4, $0x1;
	s4 =	sadd.s32 s21, s2  }
0x9d: {  	[timem:s6], [sflag:s22] =	dma.local [hbm:s4], s20  }
0x9e: {  	_ =	swait.ge [sflag:s22], s20  }
0x9f: {  	s3 =	ssub.s32 $0x0, s20;
	[sflag:s22] =	ssyncset.done $0x0  }
0xa0: {  	[sflag:s22] =	ssyncadd.s32 s3;
	_ =	sdelay $0x1  }
0xa1: {  	s23 =	simm.s32 $0x1B8B  }
0xa2: {  	_ =	swait.ge [sflag:s23], $0x1  }
0xa3: {  	[sflag:s23] =	ssyncset.done $0x0  }
0xa4: {  	s25 =	simm.s32 $0x1B8E;
	s24 =	sld [smem:$0x3FFE];
	[sflag:s23] =	ssyncadd.s32 $0xFFFFFFFF  }
0xa5: {  	s26 =	simm.s32 $execute0_lowered;
	[smem:$0x3FD2] =	sst s25  }
0xa6: {  	s4 =	sshll.u32 s26, $0x1;
	_ =	strace $0x80000046;
	[dreg:$0x1] =	wrdreg $0xFFFFFFFF  }
0xa7: {  	s28 =	simm.s32 $_size_execute0_lowered;
	s2 =	sadd.s32 s2, s4;
	[dreg:$0x0] =	wrdreg $0x0  }
0xa8: {  	s4 =	sshll.u32 s28, $0x1;
	[dreg:$0x2] =	wrdreg s2  }
0xa9: {  	[dreg:$0x3] =	wrdreg s4  }
0xaa: {  	[dreg:$0x4] =	wrdreg $0xC0  }
0xab: {  	_ =	task [dreg:s6], $0x5FFFF  }
0xac: {  	[dreg:$0x1] =	wrdreg $0xFFFFFFFF  }
0xad: {  	[dreg:$0x0] =	wrdreg $0x60  }
0xae: {  	[dreg:$0x2] =	wrdreg s24  }
0xaf: {  	[dreg:$0x3] =	wrdreg $0x4F000  }
0xb0: {  	[dreg:$0x4] =	wrdreg $0x9  }
0xb1: {  	_ =	task.clear_ibuf [dreg:s6], $0x5FFFF;
	_ =	strace $0x90000046  }
0xb2: {  	s29 =	simm.s32 $0x9;
	_ =	strace $0x80000048  }
0xb3: {  	_ =	swait.ge [sflag:s29], $0x1  }
0xb4: {  	[sflag:s29] =	ssyncadd.s32 $0xFFFFFFFF  }
0xb5: {  	_ =	strace $0x90000048  }
0xb6: {  	_ =	sfence  }
0xb7: {  	s30 =	sld [smem:$0x0];
	_ =	sdelay $0x2  }
0xb8: {  	s31 =	sshll.u32 s1, $0xD;
	s1 =	sshrl.u32 s1, $0x2  }
0xb9: {  	s3 =	sand.u32 $0x4000, s31;
	s1 =	sadd.s32 s1, s30  }
0xba: {  	s0 =	sor.u32 s3, s0;
	s1 =	sshll.u32 s1, $0x11  }
0xbb: {  	s0 =	sor.u32 s1, s0  }
0xbc: {  	s0 =	sadd.s32 $0x8F2B, s0  }
0xbd: {  	[sflag:s0] =	ssyncadd.remote.s32 $0x1  }
0xbe: {  	_ =	sfence.sel $0xFFFF  }
0xbf: {  	[dreg:$0x0] =	wrdreg $0xFFFFFFFF;
	(pc) =	sbr.abs _section_cstart, $3  }
0xc0: {  	[dreg:$0x1] =	wrdreg $0xFFFFFFFF  }
0xc1: {  	_ =	task.clear_ibuf [dreg:s6], $0x2FFFF;
	_ =	strace $0x9FFFFFFF  }
0xc2: {  	(tm) =	ssettm $0x7FFFFFFF  }
0xc3: {  	_ =	shalt  }
tec
execute0_lowered:
.L_overlay_start_1:
0x0: {  	(tag) =	ssettag $0x1  }
0x1: {  	s0 =	srdreg.scid;
	s6 =	rddreg [dreg:$0x0]  }
0x2: {  	s2 =	rddreg [dreg:$0x1];
	s3 =	simm.s32 $0x0;
	s14 =	simm.s32 $0x5180  }
0x3: {  	s15 =	simm.s32 $0x80;
	s5 =	sand.u32 $0x1, s0;
	s0 =	stileid.u32  }
0x4: {  	s16 =	simm.s32 $0x0;
	[smem:$0x7FF] =	sst s3;
	s7 =	smul.u32 $0x1400, s0  }
0x5: {  	s1 =	sshll.u32 s5, $0x4;
	s8 =	smul.u32 $0x14000, s5;
	s5 =	ssub.s32 $0x2, s5  }
0x6: {  	s31 =	sshll.u32 s0, $0x6;
	s1 =	sor.u32 s0, s1;
	s30 =	sshrl.u32 s5, $0x1  }
0x7: {  	s4 =	smul.u32 $0x4F0, s1;
	s1 =	rddreg [dreg:$0x2];
	_ =	strace $0x80000047  }
0x8: {  	s8 =	sadd.s32 s7, s8;
	s10 =	sshrl.u32 s7, $0x3;
	s12 =	ssub.s32 s5, s30  }
0x9: {  	s13 =	sadd.s32 s7, s2;
	s8 =	sshrl.u32 s8, $0x3;
	s10 =	sadd.s32 s10, s6  }
0xa: {  	s9 =	sadd.s32 s4, s6;
	s4 =	sadd.s32 $0x5600, s6;
	s11 =	sadd.s32 s8, s6  }
0xb: {  	s5 =	sadd.s32 $0x2E00, s10;
	s6 =	sor.u32 $0x1C01, s31;
	s10 =	smax.u32 s12, $0x1  }
0xc: {  	s12 =	simm.s32 $0x1;
	s7 =	sadd.s32 $0x5800, s9;
	s8 =	sadd.s32 $0xF600, s9  }
0xd: {  	s9 =	sadd.s32 $0x19400, s11;
	s11 =	sshrl.u32 s13, $0x3;
	s13 =	simm.s32 $0x2780  }
.LBB2_1:
0xe: {  	[spmem:s11], [sflag:s6] =	dma.local [hbm:s5], $0x280  }
0xf: {  	_ =	swait.ge [sflag:s12], $0x280  }
0x10: {  	[sflag:s12] =	ssyncset.done $0x0  }
0x11: {  	[sflag:s12] =	ssyncadd.s32 $0xFFFFFD80  }
0x12: {  	[tilespmem:s3], [sflag:$0x1] =	stream.linear.gather [hbm4b:s7+s3], $0x2780, $0x38;
	[tilespmem:$0x5580] =	vst v63  }
0x13: {  	_ =	swait.ge [sflag:s12], $0x2780  }
0x14: {  	[sflag:s12] =	ssyncset.done $0x0  }
0x15: {  	[sflag:s12] =	ssyncadd.s32 $0xFFFFD880  }
0x16: {  	[tilespmem:s13], [sflag:$0x1] =	stream.linear.gather [hbm4b:s8+s3], $0x2780, $0x38;
	[tilespmem:$0x5580] =	vst v63  }
0x17: {  	_ =	swait.ge [sflag:s12], $0x2780  }
0x18: {  	[sflag:s12] =	ssyncset.done $0x0  }
0x19: {  	[sflag:s12] =	ssyncadd.s32 $0xFFFFD880  }
0x1a: {  	[tilespmem:s14], [sflag:$0x1] =	stream.linear.gather [hbm4b:s4+s3], $0x400, $0x38;
	[tilespmem:$0x5580] =	vst v63  }
0x1b: {  	_ =	swait.ge [sflag:s12], $0x400  }
0x1c: {  	[sflag:s12] =	ssyncset.done $0x0  }
0x1d: {  	[sflag:s12] =	ssyncadd.s32 $0xFFFFFC00  }
0x1e: {  	s17 =	simm.s32 $0x2780;
	[bflag:$0x0] =	sbarrier.arrive $0xFFFF  }
0x1f: {  	[spmem:s2] =	stream.indirect.scatter.add.f32 [tilespmem:s14], [sflag:$0x1], $0x1, s17, s15, $0xb8;
	[tilespmem:$0x5580] =	vst v63  }
0x20: {  	s17 =	simm.s32 $0x200;
	_ =	swait.ge [sflag:s12], $0x80  }
.LBB2_2:
0x21: {  	s18 =	sshra.s32 s17, $0x2;
	[sflag:s12] =	ssyncset.done $0x0;
	p0 =	sne.s32 s17, $0x9C00  }
.Ltmp0:
0x22: {  	s18 =	sadd.s32 $0x2780, s18;
	[sflag:s12] =	ssyncadd.s32 $0xFFFFFF80;
	(pc) =	sbr.rel @p0 .LBB2_2-.Ltmp0, $3  }
0x23: {  	[spmem:s2] =	stream.indirect.scatter.add.f32 [tilespmem:s14], [sflag:$0x1], $0x1, s18, s15, $0xb8;
	[tilespmem:$0x5580] =	vst v63  }
0x24: {  	s17 =	sadd.s32 $0x200, s17;
	_ =	sdelay $0x1  }
0x25: {  	_ =	swait.ge [sflag:s12], $0x80  }
0x26: {  	[sflag:s12] =	ssyncset.done $0x0;
	s16 =	sadd.s32 $0x1, s16  }
0x27: {  	[sflag:s12] =	ssyncadd.s32 $0xFFFFFF80;
	p0 =	sne.s32 s16, s10  }
.Ltmp1:
0x28: {  	[bflag:$0x0] =	sbarrier.arrive $0xFFFF;
	(pc) =	sbr.rel @p0 .LBB2_1-.Ltmp1, $4  }
0x29: {  	[hbm:s9], [sflag:s6] =	dma.local [spmem:s11], $0x280  }
0x2a: {  	_ =	swait.ge [sflag:s12], $0x280  }
0x2b: {  	[sflag:s12] =	ssyncset.done $0x0  }
0x2c: {  	[sflag:s12] =	ssyncadd.s32 $0xFFFFFD80  }
0x2d: {  	_ =	sfence.sel $0x180000  }
0x2e: {  	[bflag:$0x0] =	sbarrier.arrive $0xFFFF  }
0x2f: {  	p0 =	sne.s32 s0, $0x0;
	_ =	strace $0x90000047  }
0x30: {  	s0 =	sadd.s32 @!p0 $0x100000, s1;
	[bflag:$0x2] =	sbarrier.arrive $0xFFFF  }
0x31: {  	[sflag:s0] =	ssyncadd.tile.s32 @!p0 $0x1;
	_ =	shalt  }
.Lfunc_end2:
_tile_overlayer_lowered:
.L_overlay_start_2:
0x32: {  	(tag) =	ssettag $0x2  }
0x33: {  	s0 =	rddreg [dreg:$0x0];
	s2 =	stileid.u32  }
0x34: {  	s1 =	rddreg [dreg:$0x1];
	p0 =	sne.s32 s2, $0x0  }
0x35: {  	s3 =	rddreg [dreg:$0x2];
	[bflag:$0x3] =	sbarrier.arrive $0xFFFF;
	s2 =	simm.s32 @!p0 $0x1C01  }
0x36: {  	[timem:s3], [sflag:s2] =	dma.local @!p0 [hbm:s0], s1  }
0x37: {  	s0 =	simm.s32 @!p0 $0x1  }
0x38: {  	_ =	swait.ge @!p0 [sflag:s0], s1  }
0x39: {  	s1 =	ssub.s32 @!p0 $0x0, s1;
	[sflag:s0] =	ssyncset.done @!p0 $0x0  }
0x3a: {  	[sflag:s0] =	ssyncadd.s32 @!p0 s1  }
0x3b: {  	[bflag:$0x3] =	sbarrier.arrive $0xFFFF  }
0x3c: {  	_ =	shalt  }

</sc_bundles>
